<compile_context>
chip_gen: v7x
topology: tpu7x:2x2x1
jax: 0.10.2.dev20260603
libtpu: 0.0.44.dev20260713+nightly
codegen_flags: <defaults>
</compile_context>

<pallas_src>
import functools

import jax
import jax.numpy as jnp
from jax import lax
from jax.experimental import pallas as pl
from jax.experimental.pallas import tpu as pltpu
from jax.experimental.pallas import tpu_sc as plsc

_NN = 9

_DN_T = (((1,), (1,)), ((), ()))


def _y2_body(mb_ref, y2_ref):
    mb = mb_ref[...]
    ones = jnp.ones((1, mb.shape[1]), dtype=mb.dtype)
    y2_ref[...] = jax.lax.dot_general(
        ones, mb * mb, _DN_T, preferred_element_type=jnp.float32)


def _main_body(emb_ref, mb_ref, y2_ref, cand_ref, m1_ref, m2_ref, m3_ref,
               *, nk):
    k = pl.program_id(1)

    @pl.when(k == 0)
    def _init():
        m1_ref[...] = jnp.full_like(m1_ref[...], jnp.inf)
        m2_ref[...] = jnp.full_like(m2_ref[...], jnp.inf)
        m3_ref[...] = jnp.full_like(m3_ref[...], jnp.inf)

    emb = emb_ref[...]
    a1, a2, a3 = m1_ref[...], m2_ref[...], m3_ref[...]
    for r in range(mb_ref.shape[0] // 256):
        xy = jax.lax.dot_general(
            emb, mb_ref[r * 256:(r + 1) * 256, :], _DN_T,
            preferred_element_type=jnp.float32)
        s = y2_ref[:, r * 256:(r + 1) * 256] + xy
        for h in range(2):
            v = s[:, h * 128:(h + 1) * 128]
            t1 = jnp.maximum(a1, v)
            a1 = jnp.minimum(a1, v)
            t2 = jnp.maximum(a2, t1)
            a2 = jnp.minimum(a2, t1)
            a3 = jnp.minimum(a3, t2)
    m1_ref[...] = a1
    m2_ref[...] = a2
    m3_ref[...] = a3

    @pl.when(k == nk - 1)
    def _emit():
        cand_ref[...] = jnp.concatenate([a1, a2, a3], axis=1)


def _sc_extract_body(cand_hbm, out_hbm, buf, obuf, *, rpw, nvec, nc):
    wid = lax.axis_index("s") * nc + lax.axis_index("c")
    pltpu.sync_copy(cand_hbm.at[wid], buf)

    def _row(rr, carry):
        inf16 = jnp.full((16,), jnp.inf, dtype=jnp.float32)
        for u in range(2):
            r = rr * 2 + u
            b1, b2, b3, b4 = inf16, inf16, inf16, inf16
            for i in range(nvec):
                v = buf[r, pl.ds(i * 16, 16)]
                t1 = jnp.maximum(b1, v)
                b1 = jnp.minimum(b1, v)
                t2 = jnp.maximum(b2, t1)
                b2 = jnp.minimum(b2, t1)
                t3 = jnp.maximum(b3, t2)
                b3 = jnp.minimum(b3, t2)
                b4 = jnp.minimum(b4, t3)
            obuf[r, pl.ds(0, 16)] = b1
            obuf[r, pl.ds(16, 16)] = b2
            obuf[r, pl.ds(32, 16)] = b3
            obuf[r, pl.ds(48, 16)] = b4
        return carry

    lax.fori_loop(0, rpw // 2, _row, 0)
    pltpu.sync_copy(obuf, out_hbm.at[wid])


def _fix_body(c64_ref, emb_ref, out_ref):
    work = c64_ref[...]
    bq = work.shape[0]
    lane = jax.lax.broadcasted_iota(jnp.int32, (bq, 16), 1)
    outbuf = jnp.full((bq, 16), jnp.inf, dtype=jnp.float32)
    for j in range(_NN):
        m = jnp.min(work, axis=1, keepdims=True)
        outbuf = jnp.where(lane == j, m, outbuf)
        work = jnp.where(work == m, jnp.inf, work)
    emb = emb_ref[...]
    x2 = jnp.sum(emb * emb, axis=1, keepdims=True)
    out_ref[...] = jnp.sqrt(jnp.maximum(outbuf[:, :_NN] + x2, 1e-12))


@jax.jit
def kernel(embedding, memory_bank):
    q, c = embedding.shape
    k = memory_bank.shape[0]

    bk = 2048 if k % 2048 == 0 else min(k, 256)
    bq2 = 448 if q % 448 == 0 else min(q, 64)
    nk = k // bk

    embb = (-2.0 * embedding).astype(jnp.bfloat16)
    mbb = memory_bank.astype(jnp.bfloat16)

    y2 = pl.pallas_call(
        _y2_body,
        grid=(nk,),
        in_specs=[pl.BlockSpec((bk, c), lambda j: (j, 0))],
        out_specs=pl.BlockSpec((1, bk), lambda j: (0, j)),
        out_shape=jax.ShapeDtypeStruct((1, k), jnp.float32),
    )(mbb)

    info = plsc.get_sparse_core_info()
    nw = info.num_cores * info.num_subcores
    mesh = plsc.VectorSubcoreMesh(core_axis_name="c", subcore_axis_name="s")

    def _main_call(emb_chunk):
        qc = emb_chunk.shape[0]
        bq = 896 if qc % 896 == 0 else min(qc, 64)
        return pl.pallas_call(
            functools.partial(_main_body, nk=nk),
            grid=(qc // bq, nk),
            in_specs=[
                pl.BlockSpec((bq, c), lambda i, j: (i, 0)),
                pl.BlockSpec((bk, c), lambda i, j: (j, 0)),
                pl.BlockSpec((1, bk), lambda i, j: (0, j)),
            ],
            out_specs=pl.BlockSpec((bq, 384), lambda i, j: (i, 0)),
            out_shape=jax.ShapeDtypeStruct((qc, 384), jnp.float32),
            scratch_shapes=[
                pltpu.VMEM((bq, 128), jnp.float32),
                pltpu.VMEM((bq, 128), jnp.float32),
                pltpu.VMEM((bq, 128), jnp.float32),
            ],
            compiler_params=pltpu.CompilerParams(
                dimension_semantics=("parallel", "arbitrary")),
        )(emb_chunk, mbb, y2)

    def _sc_call(cand_chunk):
        qc = cand_chunk.shape[0]
        rpw = qc // nw
        t4 = pl.kernel(
            functools.partial(_sc_extract_body, rpw=rpw, nvec=384 // 16,
                              nc=info.num_cores),
            mesh=mesh,
            out_type=jax.ShapeDtypeStruct((nw, rpw, 64), jnp.float32),
            scratch_types=[
                pltpu.VMEM((rpw, 384), jnp.float32),
                pltpu.VMEM((rpw, 64), jnp.float32),
            ],
        )(cand_chunk.reshape(nw, rpw, 384))
        return t4.reshape(qc, 64)

    cand = _main_call(embb)
    c64 = _sc_call(cand)

    out = pl.pallas_call(
        _fix_body,
        grid=(q // bq2,),
        in_specs=[
            pl.BlockSpec((bq2, 64), lambda i: (i, 0)),
            pl.BlockSpec((bq2, c), lambda i: (i, 0)),
        ],
        out_specs=pl.BlockSpec((bq2, _NN), lambda i: (i, 0)),
        out_shape=jax.ShapeDtypeStruct((q, _NN), jnp.float32),
    )(c64, embedding)
    return out

# --- scband reference (transcript-rebuilt; emitter-appended) ---
"""Pipeline reference for scband-patchcore-model-28501402976557 (READ-ONLY COPY).

The authoritative reference and input builder live on the scoring server;
editing this copy changes nothing except your own understanding.
"""

import jax, jax.numpy as jnp
import numpy as np

NUM_NEIGHBORS = 9

def setup_inputs(seed: int = 0) -> dict:
    key = jax.random.key(seed)
    k1, k2 = jax.random.split(key)
    # embedding: batch=8 images at 224x224 through wide_resnet50_2 layer2+layer3
    # -> 28x28 feature map, 512+1024=1536 channels, reshaped to [B*P*P, C] = [8*784, 1536]
    embedding = jax.random.normal(k1, (6272, 1536), dtype=jnp.float32)
    # coreset-subsampled memory bank
    memory_bank = jax.random.normal(k2, (8192, 1536), dtype=jnp.float32)
    return {"embedding": embedding, "memory_bank": memory_bank}

def reference(embedding, memory_bank):
    # torch.cdist(embedding, memory_bank, p=2.0)
    x2 = jnp.sum(embedding * embedding, axis=1, keepdims=True)          # [Q, 1]
    y2 = jnp.sum(memory_bank * memory_bank, axis=1)[None, :]            # [1, K]
    d2 = x2 + y2 - 2.0 * (embedding @ memory_bank.T)                    # [Q, K]
    distances = jnp.sqrt(jnp.maximum(d2, 1e-12))
    # distances.topk(k=n_neighbors, largest=False, dim=1)
    neg_vals, _ = jax.lax.top_k(-distances, NUM_NEIGHBORS)
    patch_scores = -neg_vals                                            # [Q, 9]
    return patch_scores

if __name__ == "__main__":
    import jax
    _d = setup_inputs()
    print(jax.jit(kernel)(*tuple(_d.values())))

</pallas_src>

<mosaic_0001>
#map = affine_map<(d0, d1) -> (0, 0, 0)>
module attributes {stable_mosaic.version = 14 : i64} {
  func.func @_sc_extract_body(%arg0: i32, %arg1: i32, %arg2: memref<32x196x384xf32, #tpu.memory_space<hbm>>, %arg3: memref<32x196x64xf32, #tpu.memory_space<hbm>>, %arg4: memref<196x384xf32, #tpu.memory_space<vmem>>, %arg5: memref<196x64xf32, #tpu.memory_space<vmem>>) attributes {dimension_semantics = [#tpu.dimension_semantics<core_parallel>, #tpu.dimension_semantics<subcore_parallel>], iteration_bounds = array<i64: 2, 16>, scalar_prefetch = 0 : i64, scratch_operands = 2 : i64, tpu.core_type = #tpu.core_type<sc_vector_subcore>, window_params = [{transform_indices = #map}, {transform_indices = #map}]} {
    %mul3A = arith.constant 2 : i32
    %mul3A_0 = arith.muli %arg1, %mul3A : i32
    %add3A = arith.addi %mul3A_0, %arg0 : i32
    "tpu.region"() ({
      %run_scoped3A = tpu.sem_alloc : memref<!tpu.dma_semaphore, #tpu.memory_space<semaphore_mem>>
      %dma_start3A = arith.constant 0 : i32
      %dma_start3A_6 = arith.constant 0 : i32
      %dma_start3A_7 = tpu.memref_slice %arg2[%add3A, %dma_start3A, %dma_start3A_6] : memref<32x196x384xf32, #tpu.memory_space<hbm>> -> memref<1x196x384xf32, #tpu.memory_space<hbm>>
      %dma_start3A_8 = tpu.memref_squeeze %dma_start3A_7 : memref<1x196x384xf32, #tpu.memory_space<hbm>> -> memref<196x384xf32, #tpu.memory_space<hbm>>
      %dma_start3A_9 = arith.constant 0 : i32
      %dma_start3A_10 = arith.constant 0 : i32
      %dma_start3A_11 = tpu.memref_slice %arg2[%add3A, %dma_start3A_9, %dma_start3A_10] : memref<32x196x384xf32, #tpu.memory_space<hbm>> -> memref<1x196x384xf32, #tpu.memory_space<hbm>>
      %dma_start3A_12 = tpu.memref_squeeze %dma_start3A_11 : memref<1x196x384xf32, #tpu.memory_space<hbm>> -> memref<196x384xf32, #tpu.memory_space<hbm>>
      tpu.enqueue_dma source(%dma_start3A_12 : memref<196x384xf32, #tpu.memory_space<hbm>>) target(%arg4 : memref<196x384xf32, #tpu.memory_space<vmem>>) target_semaphore(%run_scoped3A : memref<!tpu.dma_semaphore, #tpu.memory_space<semaphore_mem>>)
      %dma_wait3A = arith.constant 0 : i32
      %dma_wait3A_13 = arith.constant 0 : i32
      %dma_wait3A_14 = tpu.memref_slice %arg2[%add3A, %dma_wait3A, %dma_wait3A_13] : memref<32x196x384xf32, #tpu.memory_space<hbm>> -> memref<1x196x384xf32, #tpu.memory_space<hbm>>
      %dma_wait3A_15 = tpu.memref_squeeze %dma_wait3A_14 : memref<1x196x384xf32, #tpu.memory_space<hbm>> -> memref<196x384xf32, #tpu.memory_space<hbm>>
      %dma_wait3A_16 = arith.constant 0 : i32
      %dma_wait3A_17 = arith.constant 0 : i32
      %dma_wait3A_18 = tpu.memref_slice %arg2[%add3A, %dma_wait3A_16, %dma_wait3A_17] : memref<32x196x384xf32, #tpu.memory_space<hbm>> -> memref<1x196x384xf32, #tpu.memory_space<hbm>>
      %dma_wait3A_19 = tpu.memref_squeeze %dma_wait3A_18 : memref<1x196x384xf32, #tpu.memory_space<hbm>> -> memref<196x384xf32, #tpu.memory_space<hbm>>
      tpu.wait_dma2 semaphore(%run_scoped3A : memref<!tpu.dma_semaphore, #tpu.memory_space<semaphore_mem>>) src(%dma_wait3A_19 : memref<196x384xf32, #tpu.memory_space<hbm>>) dst(%arg4 : memref<196x384xf32, #tpu.memory_space<vmem>>)
      tpu.yield
    }) : () -> ()
    %scan3A = arith.constant 0 : i32
    %scan3A_1 = arith.constant 0 : i32
    %scan3A_2 = arith.constant 98 : i32
    %scan3A_3 = arith.addi %scan3A_1, %scan3A_2 : i32
    %scan3A_4 = arith.constant 1 : i32
    scf.for %scan3A_6 = %scan3A_1 to %scan3A_3 step %scan3A_4  : i32 {
      %broadcast_in_dim3A = arith.constant 0x7F800000 : f32
      %broadcast_in_dim3A_7 = vector.broadcast %broadcast_in_dim3A : f32 to vector<16xf32>
      %mul3A_8 = arith.constant 2 : i32
      %mul3A_9 = arith.muli %scan3A_6, %mul3A_8 : i32
      %add3A_10 = arith.constant 0 : i32
      %add3A_11 = arith.addi %mul3A_9, %add3A_10 : i32
      %get3A = arith.index_cast %add3A_11 : i32 to index
      %get3A_12 = arith.constant 0 : index
      %get3A_13 = tpu.vector_load %arg4[%get3A, %get3A_12] {strides = array<i32>} : memref<196x384xf32, #tpu.memory_space<vmem>>, vector<1x16xf32>,
      %get3A_14 = vector.shape_cast %get3A_13 : vector<1x16xf32> to vector<16xf32>
      %max3A = arith.maximumf %broadcast_in_dim3A_7, %get3A_14 : vector<16xf32>
      %min3A = arith.minimumf %broadcast_in_dim3A_7, %get3A_14 : vector<16xf32>
      %max3A_15 = arith.maximumf %broadcast_in_dim3A_7, %max3A : vector<16xf32>
      %min3A_16 = arith.minimumf %broadcast_in_dim3A_7, %max3A : vector<16xf32>
      %max3A_17 = arith.maximumf %broadcast_in_dim3A_7, %max3A_15 : vector<16xf32>
      %min3A_18 = arith.minimumf %broadcast_in_dim3A_7, %max3A_15 : vector<16xf32>
      %min3A_19 = arith.minimumf %broadcast_in_dim3A_7, %max3A_17 : vector<16xf32>
      %get3A_20 = arith.index_cast %add3A_11 : i32 to index
      %get3A_21 = arith.constant 16 : index
      %get3A_22 = tpu.vector_load %arg4[%get3A_20, %get3A_21] {strides = array<i32>} : memref<196x384xf32, #tpu.memory_space<vmem>>, vector<1x16xf32>,
      %get3A_23 = vector.shape_cast %get3A_22 : vector<1x16xf32> to vector<16xf32>
      %max3A_24 = arith.maximumf %min3A, %get3A_23 : vector<16xf32>
      %min3A_25 = arith.minimumf %min3A, %get3A_23 : vector<16xf32>
      %max3A_26 = arith.maximumf %min3A_16, %max3A_24 : vector<16xf32>
      %min3A_27 = arith.minimumf %min3A_16, %max3A_24 : vector<16xf32>
      %max3A_28 = arith.maximumf %min3A_18, %max3A_26 : vector<16xf32>
      %min3A_29 = arith.minimumf %min3A_18, %max3A_26 : vector<16xf32>
      %min3A_30 = arith.minimumf %min3A_19, %max3A_28 : vector<16xf32>
      %get3A_31 = arith.index_cast %add3A_11 : i32 to index
      %get3A_32 = arith.constant 32 : index
      %get3A_33 = tpu.vector_load %arg4[%get3A_31, %get3A_32] {strides = array<i32>} : memref<196x384xf32, #tpu.memory_space<vmem>>, vector<1x16xf32>,
      %get3A_34 = vector.shape_cast %get3A_33 : vector<1x16xf32> to vector<16xf32>
      %max3A_35 = arith.maximumf %min3A_25, %get3A_34 : vector<16xf32>
      %min3A_36 = arith.minimumf %min3A_25, %get3A_34 : vector<16xf32>
      %max3A_37 = arith.maximumf %min3A_27, %max3A_35 : vector<16xf32>
      %min3A_38 = arith.minimumf %min3A_27, %max3A_35 : vector<16xf32>
      %max3A_39 = arith.maximumf %min3A_29, %max3A_37 : vector<16xf32>
      %min3A_40 = arith.minimumf %min3A_29, %max3A_37 : vector<16xf32>
      %min3A_41 = arith.minimumf %min3A_30, %max3A_39 : vector<16xf32>
      %get3A_42 = arith.index_cast %add3A_11 : i32 to index
      %get3A_43 = arith.constant 48 : index
      %get3A_44 = tpu.vector_load %arg4[%get3A_42, %get3A_43] {strides = array<i32>} : memref<196x384xf32, #tpu.memory_space<vmem>>, vector<1x16xf32>,
      %get3A_45 = vector.shape_cast %get3A_44 : vector<1x16xf32> to vector<16xf32>
      %max3A_46 = arith.maximumf %min3A_36, %get3A_45 : vector<16xf32>
      %min3A_47 = arith.minimumf %min3A_36, %get3A_45 : vector<16xf32>
      %max3A_48 = arith.maximumf %min3A_38, %max3A_46 : vector<16xf32>
      %min3A_49 = arith.minimumf %min3A_38, %max3A_46 : vector<16xf32>
      %max3A_50 = arith.maximumf %min3A_40, %max3A_48 : vector<16xf32>
      %min3A_51 = arith.minimumf %min3A_40, %max3A_48 : vector<16xf32>
      %min3A_52 = arith.minimumf %min3A_41, %max3A_50 : vector<16xf32>
      %get3A_53 = arith.index_cast %add3A_11 : i32 to index
      %get3A_54 = arith.constant 64 : index
      %get3A_55 = tpu.vector_load %arg4[%get3A_53, %get3A_54] {strides = array<i32>} : memref<196x384xf32, #tpu.memory_space<vmem>>, vector<1x16xf32>,
      %get3A_56 = vector.shape_cast %get3A_55 : vector<1x16xf32> to vector<16xf32>
      %max3A_57 = arith.maximumf %min3A_47, %get3A_56 : vector<16xf32>
      %min3A_58 = arith.minimumf %min3A_47, %get3A_56 : vector<16xf32>
      %max3A_59 = arith.maximumf %min3A_49, %max3A_57 : vector<16xf32>
      %min3A_60 = arith.minimumf %min3A_49, %max3A_57 : vector<16xf32>
      %max3A_61 = arith.maximumf %min3A_51, %max3A_59 : vector<16xf32>
      %min3A_62 = arith.minimumf %min3A_51, %max3A_59 : vector<16xf32>
      %min3A_63 = arith.minimumf %min3A_52, %max3A_61 : vector<16xf32>
      %get3A_64 = arith.index_cast %add3A_11 : i32 to index
      %get3A_65 = arith.constant 80 : index
      %get3A_66 = tpu.vector_load %arg4[%get3A_64, %get3A_65] {strides = array<i32>} : memref<196x384xf32, #tpu.memory_space<vmem>>, vector<1x16xf32>,
      %get3A_67 = vector.shape_cast %get3A_66 : vector<1x16xf32> to vector<16xf32>
      %max3A_68 = arith.maximumf %min3A_58, %get3A_67 : vector<16xf32>
      %min3A_69 = arith.minimumf %min3A_58, %get3A_67 : vector<16xf32>
      %max3A_70 = arith.maximumf %min3A_60, %max3A_68 : vector<16xf32>
      %min3A_71 = arith.minimumf %min3A_60, %max3A_68 : vector<16xf32>
      %max3A_72 = arith.maximumf %min3A_62, %max3A_70 : vector<16xf32>
      %min3A_73 = arith.minimumf %min3A_62, %max3A_70 : vector<16xf32>
      %min3A_74 = arith.minimumf %min3A_63, %max3A_72 : vector<16xf32>
      %get3A_75 = arith.index_cast %add3A_11 : i32 to index
      %get3A_76 = arith.constant 96 : index
      %get3A_77 = tpu.vector_load %arg4[%get3A_75, %get3A_76] {strides = array<i32>} : memref<196x384xf32, #tpu.memory_space<vmem>>, vector<1x16xf32>,
      %get3A_78 = vector.shape_cast %get3A_77 : vector<1x16xf32> to vector<16xf32>
      %max3A_79 = arith.maximumf %min3A_69, %get3A_78 : vector<16xf32>
      %min3A_80 = arith.minimumf %min3A_69, %get3A_78 : vector<16xf32>
      %max3A_81 = arith.maximumf %min3A_71, %max3A_79 : vector<16xf32>
      %min3A_82 = arith.minimumf %min3A_71, %max3A_79 : vector<16xf32>
      %max3A_83 = arith.maximumf %min3A_73, %max3A_81 : vector<16xf32>
      %min3A_84 = arith.minimumf %min3A_73, %max3A_81 : vector<16xf32>
      %min3A_85 = arith.minimumf %min3A_74, %max3A_83 : vector<16xf32>
      %get3A_86 = arith.index_cast %add3A_11 : i32 to index
      %get3A_87 = arith.constant 112 : index
      %get3A_88 = tpu.vector_load %arg4[%get3A_86, %get3A_87] {strides = array<i32>} : memref<196x384xf32, #tpu.memory_space<vmem>>, vector<1x16xf32>,
      %get3A_89 = vector.shape_cast %get3A_88 : vector<1x16xf32> to vector<16xf32>
      %max3A_90 = arith.maximumf %min3A_80, %get3A_89 : vector<16xf32>
      %min3A_91 = arith.minimumf %min3A_80, %get3A_89 : vector<16xf32>
      %max3A_92 = arith.maximumf %min3A_82, %max3A_90 : vector<16xf32>
      %min3A_93 = arith.minimumf %min3A_82, %max3A_90 : vector<16xf32>
      %max3A_94 = arith.maximumf %min3A_84, %max3A_92 : vector<16xf32>
      %min3A_95 = arith.minimumf %min3A_84, %max3A_92 : vector<16xf32>
      %min3A_96 = arith.minimumf %min3A_85, %max3A_94 : vector<16xf32>
      %get3A_97 = arith.index_cast %add3A_11 : i32 to index
      %get3A_98 = arith.constant 128 : index
      %get3A_99 = tpu.vector_load %arg4[%get3A_97, %get3A_98] {strides = array<i32>} : memref<196x384xf32, #tpu.memory_space<vmem>>, vector<1x16xf32>,
      %get3A_100 = vector.shape_cast %get3A_99 : vector<1x16xf32> to vector<16xf32>
      %max3A_101 = arith.maximumf %min3A_91, %get3A_100 : vector<16xf32>
      %min3A_102 = arith.minimumf %min3A_91, %get3A_100 : vector<16xf32>
      %max3A_103 = arith.maximumf %min3A_93, %max3A_101 : vector<16xf32>
      %min3A_104 = arith.minimumf %min3A_93, %max3A_101 : vector<16xf32>
      %max3A_105 = arith.maximumf %min3A_95, %max3A_103 : vector<16xf32>
      %min3A_106 = arith.minimumf %min3A_95, %max3A_103 : vector<16xf32>
      %min3A_107 = arith.minimumf %min3A_96, %max3A_105 : vector<16xf32>
      %get3A_108 = arith.index_cast %add3A_11 : i32 to index
      %get3A_109 = arith.constant 144 : index
      %get3A_110 = tpu.vector_load %arg4[%get3A_108, %get3A_109] {strides = array<i32>} : memref<196x384xf32, #tpu.memory_space<vmem>>, vector<1x16xf32>,
      %get3A_111 = vector.shape_cast %get3A_110 : vector<1x16xf32> to vector<16xf32>
      %max3A_112 = arith.maximumf %min3A_102, %get3A_111 : vector<16xf32>
      %min3A_113 = arith.minimumf %min3A_102, %get3A_111 : vector<16xf32>
      %max3A_114 = arith.maximumf %min3A_104, %max3A_112 : vector<16xf32>
      %min3A_115 = arith.minimumf %min3A_104, %max3A_112 : vector<16xf32>
      %max3A_116 = arith.maximumf %min3A_106, %max3A_114 : vector<16xf32>
      %min3A_117 = arith.minimumf %min3A_106, %max3A_114 : vector<16xf32>
      %min3A_118 = arith.minimumf %min3A_107, %max3A_116 : vector<16xf32>
      %get3A_119 = arith.index_cast %add3A_11 : i32 to index
      %get3A_120 = arith.constant 160 : index
      %get3A_121 = tpu.vector_load %arg4[%get3A_119, %get3A_120] {strides = array<i32>} : memref<196x384xf32, #tpu.memory_space<vmem>>, vector<1x16xf32>,
      %get3A_122 = vector.shape_cast %get3A_121 : vector<1x16xf32> to vector<16xf32>
      %max3A_123 = arith.maximumf %min3A_113, %get3A_122 : vector<16xf32>
      %min3A_124 = arith.minimumf %min3A_113, %get3A_122 : vector<16xf32>
      %max3A_125 = arith.maximumf %min3A_115, %max3A_123 : vector<16xf32>
      %min3A_126 = arith.minimumf %min3A_115, %max3A_123 : vector<16xf32>
      %max3A_127 = arith.maximumf %min3A_117, %max3A_125 : vector<16xf32>
      %min3A_128 = arith.minimumf %min3A_117, %max3A_125 : vector<16xf32>
      %min3A_129 = arith.minimumf %min3A_118, %max3A_127 : vector<16xf32>
      %get3A_130 = arith.index_cast %add3A_11 : i32 to index
      %get3A_131 = arith.constant 176 : index
      %get3A_132 = tpu.vector_load %arg4[%get3A_130, %get3A_131] {strides = array<i32>} : memref<196x384xf32, #tpu.memory_space<vmem>>, vector<1x16xf32>,
      %get3A_133 = vector.shape_cast %get3A_132 : vector<1x16xf32> to vector<16xf32>
      %max3A_134 = arith.maximumf %min3A_124, %get3A_133 : vector<16xf32>
      %min3A_135 = arith.minimumf %min3A_124, %get3A_133 : vector<16xf32>
      %max3A_136 = arith.maximumf %min3A_126, %max3A_134 : vector<16xf32>
      %min3A_137 = arith.minimumf %min3A_126, %max3A_134 : vector<16xf32>
      %max3A_138 = arith.maximumf %min3A_128, %max3A_136 : vector<16xf32>
      %min3A_139 = arith.minimumf %min3A_128, %max3A_136 : vector<16xf32>
      %min3A_140 = arith.minimumf %min3A_129, %max3A_138 : vector<16xf32>
      %get3A_141 = arith.index_cast %add3A_11 : i32 to index
      %get3A_142 = arith.constant 192 : index
      %get3A_143 = tpu.vector_load %arg4[%get3A_141, %get3A_142] {strides = array<i32>} : memref<196x384xf32, #tpu.memory_space<vmem>>, vector<1x16xf32>,
      %get3A_144 = vector.shape_cast %get3A_143 : vector<1x16xf32> to vector<16xf32>
      %max3A_145 = arith.maximumf %min3A_135, %get3A_144 : vector<16xf32>
      %min3A_146 = arith.minimumf %min3A_135, %get3A_144 : vector<16xf32>
      %max3A_147 = arith.maximumf %min3A_137, %max3A_145 : vector<16xf32>
      %min3A_148 = arith.minimumf %min3A_137, %max3A_145 : vector<16xf32>
      %max3A_149 = arith.maximumf %min3A_139, %max3A_147 : vector<16xf32>
      %min3A_150 = arith.minimumf %min3A_139, %max3A_147 : vector<16xf32>
      %min3A_151 = arith.minimumf %min3A_140, %max3A_149 : vector<16xf32>
      %get3A_152 = arith.index_cast %add3A_11 : i32 to index
      %get3A_153 = arith.constant 208 : index
      %get3A_154 = tpu.vector_load %arg4[%get3A_152, %get3A_153] {strides = array<i32>} : memref<196x384xf32, #tpu.memory_space<vmem>>, vector<1x16xf32>,
      %get3A_155 = vector.shape_cast %get3A_154 : vector<1x16xf32> to vector<16xf32>
      %max3A_156 = arith.maximumf %min3A_146, %get3A_155 : vector<16xf32>
      %min3A_157 = arith.minimumf %min3A_146, %get3A_155 : vector<16xf32>
      %max3A_158 = arith.maximumf %min3A_148, %max3A_156 : vector<16xf32>
      %min3A_159 = arith.minimumf %min3A_148, %max3A_156 : vector<16xf32>
      %max3A_160 = arith.maximumf %min3A_150, %max3A_158 : vector<16xf32>
      %min3A_161 = arith.minimumf %min3A_150, %max3A_158 : vector<16xf32>
      %min3A_162 = arith.minimumf %min3A_151, %max3A_160 : vector<16xf32>
      %get3A_163 = arith.index_cast %add3A_11 : i32 to index
      %get3A_164 = arith.constant 224 : index
      %get3A_165 = tpu.vector_load %arg4[%get3A_163, %get3A_164] {strides = array<i32>} : memref<196x384xf32, #tpu.memory_space<vmem>>, vector<1x16xf32>,
      %get3A_166 = vector.shape_cast %get3A_165 : vector<1x16xf32> to vector<16xf32>
      %max3A_167 = arith.maximumf %min3A_157, %get3A_166 : vector<16xf32>
      %min3A_168 = arith.minimumf %min3A_157, %get3A_166 : vector<16xf32>
      %max3A_169 = arith.maximumf %min3A_159, %max3A_167 : vector<16xf32>
      %min3A_170 = arith.minimumf %min3A_159, %max3A_167 : vector<16xf32>
      %max3A_171 = arith.maximumf %min3A_161, %max3A_169 : vector<16xf32>
      %min3A_172 = arith.minimumf %min3A_161, %max3A_169 : vector<16xf32>
      %min3A_173 = arith.minimumf %min3A_162, %max3A_171 : vector<16xf32>
      %get3A_174 = arith.index_cast %add3A_11 : i32 to index
      %get3A_175 = arith.constant 240 : index
      %get3A_176 = tpu.vector_load %arg4[%get3A_174, %get3A_175] {strides = array<i32>} : memref<196x384xf32, #tpu.memory_space<vmem>>, vector<1x16xf32>,
      %get3A_177 = vector.shape_cast %get3A_176 : vector<1x16xf32> to vector<16xf32>
      %max3A_178 = arith.maximumf %min3A_168, %get3A_177 : vector<16xf32>
      %min3A_179 = arith.minimumf %min3A_168, %get3A_177 : vector<16xf32>
      %max3A_180 = arith.maximumf %min3A_170, %max3A_178 : vector<16xf32>
      %min3A_181 = arith.minimumf %min3A_170, %max3A_178 : vector<16xf32>
      %max3A_182 = arith.maximumf %min3A_172, %max3A_180 : vector<16xf32>
      %min3A_183 = arith.minimumf %min3A_172, %max3A_180 : vector<16xf32>
      %min3A_184 = arith.minimumf %min3A_173, %max3A_182 : vector<16xf32>
      %get3A_185 = arith.index_cast %add3A_11 : i32 to index
      %get3A_186 = arith.constant 256 : index
      %get3A_187 = tpu.vector_load %arg4[%get3A_185, %get3A_186] {strides = array<i32>} : memref<196x384xf32, #tpu.memory_space<vmem>>, vector<1x16xf32>,
      %get3A_188 = vector.shape_cast %get3A_187 : vector<1x16xf32> to vector<16xf32>
      %max3A_189 = arith.maximumf %min3A_179, %get3A_188 : vector<16xf32>
      %min3A_190 = arith.minimumf %min3A_179, %get3A_188 : vector<16xf32>
      %max3A_191 = arith.maximumf %min3A_181, %max3A_189 : vector<16xf32>
      %min3A_192 = arith.minimumf %min3A_181, %max3A_189 : vector<16xf32>
      %max3A_193 = arith.maximumf %min3A_183, %max3A_191 : vector<16xf32>
      %min3A_194 = arith.minimumf %min3A_183, %max3A_191 : vector<16xf32>
      %min3A_195 = arith.minimumf %min3A_184, %max3A_193 : vector<16xf32>
      %get3A_196 = arith.index_cast %add3A_11 : i32 to index
      %get3A_197 = arith.constant 272 : index
      %get3A_198 = tpu.vector_load %arg4[%get3A_196, %get3A_197] {strides = array<i32>} : memref<196x384xf32, #tpu.memory_space<vmem>>, vector<1x16xf32>,
      %get3A_199 = vector.shape_cast %get3A_198 : vector<1x16xf32> to vector<16xf32>
      %max3A_200 = arith.maximumf %min3A_190, %get3A_199 : vector<16xf32>
      %min3A_201 = arith.minimumf %min3A_190, %get3A_199 : vector<16xf32>
      %max3A_202 = arith.maximumf %min3A_192, %max3A_200 : vector<16xf32>
      %min3A_203 = arith.minimumf %min3A_192, %max3A_200 : vector<16xf32>
      %max3A_204 = arith.maximumf %min3A_194, %max3A_202 : vector<16xf32>
      %min3A_205 = arith.minimumf %min3A_194, %max3A_202 : vector<16xf32>
      %min3A_206 = arith.minimumf %min3A_195, %max3A_204 : vector<16xf32>
      %get3A_207 = arith.index_cast %add3A_11 : i32 to index
      %get3A_208 = arith.constant 288 : index
      %get3A_209 = tpu.vector_load %arg4[%get3A_207, %get3A_208] {strides = array<i32>} : memref<196x384xf32, #tpu.memory_space<vmem>>, vector<1x16xf32>,
      %get3A_210 = vector.shape_cast %get3A_209 : vector<1x16xf32> to vector<16xf32>
      %max3A_211 = arith.maximumf %min3A_201, %get3A_210 : vector<16xf32>
      %min3A_212 = arith.minimumf %min3A_201, %get3A_210 : vector<16xf32>
      %max3A_213 = arith.maximumf %min3A_203, %max3A_211 : vector<16xf32>
      %min3A_214 = arith.minimumf %min3A_203, %max3A_211 : vector<16xf32>
      %max3A_215 = arith.maximumf %min3A_205, %max3A_213 : vector<16xf32>
      %min3A_216 = arith.minimumf %min3A_205, %max3A_213 : vector<16xf32>
      %min3A_217 = arith.minimumf %min3A_206, %max3A_215 : vector<16xf32>
      %get3A_218 = arith.index_cast %add3A_11 : i32 to index
      %get3A_219 = arith.constant 304 : index
      %get3A_220 = tpu.vector_load %arg4[%get3A_218, %get3A_219] {strides = array<i32>} : memref<196x384xf32, #tpu.memory_space<vmem>>, vector<1x16xf32>,
      %get3A_221 = vector.shape_cast %get3A_220 : vector<1x16xf32> to vector<16xf32>
      %max3A_222 = arith.maximumf %min3A_212, %get3A_221 : vector<16xf32>
      %min3A_223 = arith.minimumf %min3A_212, %get3A_221 : vector<16xf32>
      %max3A_224 = arith.maximumf %min3A_214, %max3A_222 : vector<16xf32>
      %min3A_225 = arith.minimumf %min3A_214, %max3A_222 : vector<16xf32>
      %max3A_226 = arith.maximumf %min3A_216, %max3A_224 : vector<16xf32>
      %min3A_227 = arith.minimumf %min3A_216, %max3A_224 : vector<16xf32>
      %min3A_228 = arith.minimumf %min3A_217, %max3A_226 : vector<16xf32>
      %get3A_229 = arith.index_cast %add3A_11 : i32 to index
      %get3A_230 = arith.constant 320 : index
      %get3A_231 = tpu.vector_load %arg4[%get3A_229, %get3A_230] {strides = array<i32>} : memref<196x384xf32, #tpu.memory_space<vmem>>, vector<1x16xf32>,
      %get3A_232 = vector.shape_cast %get3A_231 : vector<1x16xf32> to vector<16xf32>
      %max3A_233 = arith.maximumf %min3A_223, %get3A_232 : vector<16xf32>
      %min3A_234 = arith.minimumf %min3A_223, %get3A_232 : vector<16xf32>
      %max3A_235 = arith.maximumf %min3A_225, %max3A_233 : vector<16xf32>
      %min3A_236 = arith.minimumf %min3A_225, %max3A_233 : vector<16xf32>
      %max3A_237 = arith.maximumf %min3A_227, %max3A_235 : vector<16xf32>
      %min3A_238 = arith.minimumf %min3A_227, %max3A_235 : vector<16xf32>
      %min3A_239 = arith.minimumf %min3A_228, %max3A_237 : vector<16xf32>
      %get3A_240 = arith.index_cast %add3A_11 : i32 to index
      %get3A_241 = arith.constant 336 : index
      %get3A_242 = tpu.vector_load %arg4[%get3A_240, %get3A_241] {strides = array<i32>} : memref<196x384xf32, #tpu.memory_space<vmem>>, vector<1x16xf32>,
      %get3A_243 = vector.shape_cast %get3A_242 : vector<1x16xf32> to vector<16xf32>
      %max3A_244 = arith.maximumf %min3A_234, %get3A_243 : vector<16xf32>
      %min3A_245 = arith.minimumf %min3A_234, %get3A_243 : vector<16xf32>
      %max3A_246 = arith.maximumf %min3A_236, %max3A_244 : vector<16xf32>
      %min3A_247 = arith.minimumf %min3A_236, %max3A_244 : vector<16xf32>
      %max3A_248 = arith.maximumf %min3A_238, %max3A_246 : vector<16xf32>
      %min3A_249 = arith.minimumf %min3A_238, %max3A_246 : vector<16xf32>
      %min3A_250 = arith.minimumf %min3A_239, %max3A_248 : vector<16xf32>
      %get3A_251 = arith.index_cast %add3A_11 : i32 to index
      %get3A_252 = arith.constant 352 : index
      %get3A_253 = tpu.vector_load %arg4[%get3A_251, %get3A_252] {strides = array<i32>} : memref<196x384xf32, #tpu.memory_space<vmem>>, vector<1x16xf32>,
      %get3A_254 = vector.shape_cast %get3A_253 : vector<1x16xf32> to vector<16xf32>
      %max3A_255 = arith.maximumf %min3A_245, %get3A_254 : vector<16xf32>
      %min3A_256 = arith.minimumf %min3A_245, %get3A_254 : vector<16xf32>
      %max3A_257 = arith.maximumf %min3A_247, %max3A_255 : vector<16xf32>
      %min3A_258 = arith.minimumf %min3A_247, %max3A_255 : vector<16xf32>
      %max3A_259 = arith.maximumf %min3A_249, %max3A_257 : vector<16xf32>
      %min3A_260 = arith.minimumf %min3A_249, %max3A_257 : vector<16xf32>
      %min3A_261 = arith.minimumf %min3A_250, %max3A_259 : vector<16xf32>
      %get3A_262 = arith.index_cast %add3A_11 : i32 to index
      %get3A_263 = arith.constant 368 : index
      %get3A_264 = tpu.vector_load %arg4[%get3A_262, %get3A_263] {strides = array<i32>} : memref<196x384xf32, #tpu.memory_space<vmem>>, vector<1x16xf32>,
      %get3A_265 = vector.shape_cast %get3A_264 : vector<1x16xf32> to vector<16xf32>
      %max3A_266 = arith.maximumf %min3A_256, %get3A_265 : vector<16xf32>
      %min3A_267 = arith.minimumf %min3A_256, %get3A_265 : vector<16xf32>
      %max3A_268 = arith.maximumf %min3A_258, %max3A_266 : vector<16xf32>
      %min3A_269 = arith.minimumf %min3A_258, %max3A_266 : vector<16xf32>
      %max3A_270 = arith.maximumf %min3A_260, %max3A_268 : vector<16xf32>
      %min3A_271 = arith.minimumf %min3A_260, %max3A_268 : vector<16xf32>
      %min3A_272 = arith.minimumf %min3A_261, %max3A_270 : vector<16xf32>
      %swap3A = arith.index_cast %add3A_11 : i32 to index
      %swap3A_273 = arith.constant 0 : index
      %swap3A_274 = tpu.vector_load %arg5[%swap3A, %swap3A_273] {strides = array<i32>} : memref<196x64xf32, #tpu.memory_space<vmem>>, vector<1x16xf32>,
      %swap3A_275 = vector.shape_cast %swap3A_274 : vector<1x16xf32> to vector<16xf32>
      %swap3A_276 = vector.shape_cast %min3A_267 : vector<16xf32> to vector<1x16xf32>
      tpu.vector_store %arg5[%swap3A, %swap3A_273], %swap3A_276 {strides = array<i32>} : memref<196x64xf32, #tpu.memory_space<vmem>>, vector<1x16xf32>,
      %swap3A_277 = arith.index_cast %add3A_11 : i32 to index
      %swap3A_278 = arith.constant 16 : index
      %swap3A_279 = tpu.vector_load %arg5[%swap3A_277, %swap3A_278] {strides = array<i32>} : memref<196x64xf32, #tpu.memory_space<vmem>>, vector<1x16xf32>,
      %swap3A_280 = vector.shape_cast %swap3A_279 : vector<1x16xf32> to vector<16xf32>
      %swap3A_281 = vector.shape_cast %min3A_269 : vector<16xf32> to vector<1x16xf32>
      tpu.vector_store %arg5[%swap3A_277, %swap3A_278], %swap3A_281 {strides = array<i32>} : memref<196x64xf32, #tpu.memory_space<vmem>>, vector<1x16xf32>,
      %swap3A_282 = arith.index_cast %add3A_11 : i32 to index
      %swap3A_283 = arith.constant 32 : index
      %swap3A_284 = tpu.vector_load %arg5[%swap3A_282, %swap3A_283] {strides = array<i32>} : memref<196x64xf32, #tpu.memory_space<vmem>>, vector<1x16xf32>,
      %swap3A_285 = vector.shape_cast %swap3A_284 : vector<1x16xf32> to vector<16xf32>
      %swap3A_286 = vector.shape_cast %min3A_271 : vector<16xf32> to vector<1x16xf32>
      tpu.vector_store %arg5[%swap3A_282, %swap3A_283], %swap3A_286 {strides = array<i32>} : memref<196x64xf32, #tpu.memory_space<vmem>>, vector<1x16xf32>,
      %swap3A_287 = arith.index_cast %add3A_11 : i32 to index
      %swap3A_288 = arith.constant 48 : index
      %swap3A_289 = tpu.vector_load %arg5[%swap3A_287, %swap3A_288] {strides = array<i32>} : memref<196x64xf32, #tpu.memory_space<vmem>>, vector<1x16xf32>,
      %swap3A_290 = vector.shape_cast %swap3A_289 : vector<1x16xf32> to vector<16xf32>
      %swap3A_291 = vector.shape_cast %min3A_272 : vector<16xf32> to vector<1x16xf32>
      tpu.vector_store %arg5[%swap3A_287, %swap3A_288], %swap3A_291 {strides = array<i32>} : memref<196x64xf32, #tpu.memory_space<vmem>>, vector<1x16xf32>,
      %mul3A_292 = arith.constant 2 : i32
      %mul3A_293 = arith.muli %scan3A_6, %mul3A_292 : i32
      %add3A_294 = arith.constant 1 : i32
      %add3A_295 = arith.addi %mul3A_293, %add3A_294 : i32
      %get3A_296 = arith.index_cast %add3A_295 : i32 to index
      %get3A_297 = arith.constant 0 : index
      %get3A_298 = tpu.vector_load %arg4[%get3A_296, %get3A_297] {strides = array<i32>} : memref<196x384xf32, #tpu.memory_space<vmem>>, vector<1x16xf32>,
      %get3A_299 = vector.shape_cast %get3A_298 : vector<1x16xf32> to vector<16xf32>
      %max3A_300 = arith.maximumf %broadcast_in_dim3A_7, %get3A_299 : vector<16xf32>
      %min3A_301 = arith.minimumf %broadcast_in_dim3A_7, %get3A_299 : vector<16xf32>
      %max3A_302 = arith.maximumf %broadcast_in_dim3A_7, %max3A_300 : vector<16xf32>
      %min3A_303 = arith.minimumf %broadcast_in_dim3A_7, %max3A_300 : vector<16xf32>
      %max3A_304 = arith.maximumf %broadcast_in_dim3A_7, %max3A_302 : vector<16xf32>
      %min3A_305 = arith.minimumf %broadcast_in_dim3A_7, %max3A_302 : vector<16xf32>
      %min3A_306 = arith.minimumf %broadcast_in_dim3A_7, %max3A_304 : vector<16xf32>
      %get3A_307 = arith.index_cast %add3A_295 : i32 to index
      %get3A_308 = arith.constant 16 : index
      %get3A_309 = tpu.vector_load %arg4[%get3A_307, %get3A_308] {strides = array<i32>} : memref<196x384xf32, #tpu.memory_space<vmem>>, vector<1x16xf32>,
      %get3A_310 = vector.shape_cast %get3A_309 : vector<1x16xf32> to vector<16xf32>
      %max3A_311 = arith.maximumf %min3A_301, %get3A_310 : vector<16xf32>
      %min3A_312 = arith.minimumf %min3A_301, %get3A_310 : vector<16xf32>
      %max3A_313 = arith.maximumf %min3A_303, %max3A_311 : vector<16xf32>
      %min3A_314 = arith.minimumf %min3A_303, %max3A_311 : vector<16xf32>
      %max3A_315 = arith.maximumf %min3A_305, %max3A_313 : vector<16xf32>
      %min3A_316 = arith.minimumf %min3A_305, %max3A_313 : vector<16xf32>
      %min3A_317 = arith.minimumf %min3A_306, %max3A_315 : vector<16xf32>
      %get3A_318 = arith.index_cast %add3A_295 : i32 to index
      %get3A_319 = arith.constant 32 : index
      %get3A_320 = tpu.vector_load %arg4[%get3A_318, %get3A_319] {strides = array<i32>} : memref<196x384xf32, #tpu.memory_space<vmem>>, vector<1x16xf32>,
      %get3A_321 = vector.shape_cast %get3A_320 : vector<1x16xf32> to vector<16xf32>
      %max3A_322 = arith.maximumf %min3A_312, %get3A_321 : vector<16xf32>
      %min3A_323 = arith.minimumf %min3A_312, %get3A_321 : vector<16xf32>
      %max3A_324 = arith.maximumf %min3A_314, %max3A_322 : vector<16xf32>
      %min3A_325 = arith.minimumf %min3A_314, %max3A_322 : vector<16xf32>
      %max3A_326 = arith.maximumf %min3A_316, %max3A_324 : vector<16xf32>
      %min3A_327 = arith.minimumf %min3A_316, %max3A_324 : vector<16xf32>
      %min3A_328 = arith.minimumf %min3A_317, %max3A_326 : vector<16xf32>
      %get3A_329 = arith.index_cast %add3A_295 : i32 to index
      %get3A_330 = arith.constant 48 : index
      %get3A_331 = tpu.vector_load %arg4[%get3A_329, %get3A_330] {strides = array<i32>} : memref<196x384xf32, #tpu.memory_space<vmem>>, vector<1x16xf32>,
      %get3A_332 = vector.shape_cast %get3A_331 : vector<1x16xf32> to vector<16xf32>
      %max3A_333 = arith.maximumf %min3A_323, %get3A_332 : vector<16xf32>
      %min3A_334 = arith.minimumf %min3A_323, %get3A_332 : vector<16xf32>
      %max3A_335 = arith.maximumf %min3A_325, %max3A_333 : vector<16xf32>
      %min3A_336 = arith.minimumf %min3A_325, %max3A_333 : vector<16xf32>
      %max3A_337 = arith.maximumf %min3A_327, %max3A_335 : vector<16xf32>
      %min3A_338 = arith.minimumf %min3A_327, %max3A_335 : vector<16xf32>
      %min3A_339 = arith.minimumf %min3A_328, %max3A_337 : vector<16xf32>
      %get3A_340 = arith.index_cast %add3A_295 : i32 to index
      %get3A_341 = arith.constant 64 : index
      %get3A_342 = tpu.vector_load %arg4[%get3A_340, %get3A_341] {strides = array<i32>} : memref<196x384xf32, #tpu.memory_space<vmem>>, vector<1x16xf32>,
      %get3A_343 = vector.shape_cast %get3A_342 : vector<1x16xf32> to vector<16xf32>
      %max3A_344 = arith.maximumf %min3A_334, %get3A_343 : vector<16xf32>
      %min3A_345 = arith.minimumf %min3A_334, %get3A_343 : vector<16xf32>
      %max3A_346 = arith.maximumf %min3A_336, %max3A_344 : vector<16xf32>
      %min3A_347 = arith.minimumf %min3A_336, %max3A_344 : vector<16xf32>
      %max3A_348 = arith.maximumf %min3A_338, %max3A_346 : vector<16xf32>
      %min3A_349 = arith.minimumf %min3A_338, %max3A_346 : vector<16xf32>
      %min3A_350 = arith.minimumf %min3A_339, %max3A_348 : vector<16xf32>
      %get3A_351 = arith.index_cast %add3A_295 : i32 to index
      %get3A_352 = arith.constant 80 : index
      %get3A_353 = tpu.vector_load %arg4[%get3A_351, %get3A_352] {strides = array<i32>} : memref<196x384xf32, #tpu.memory_space<vmem>>, vector<1x16xf32>,
      %get3A_354 = vector.shape_cast %get3A_353 : vector<1x16xf32> to vector<16xf32>
      %max3A_355 = arith.maximumf %min3A_345, %get3A_354 : vector<16xf32>
      %min3A_356 = arith.minimumf %min3A_345, %get3A_354 : vector<16xf32>
      %max3A_357 = arith.maximumf %min3A_347, %max3A_355 : vector<16xf32>
      %min3A_358 = arith.minimumf %min3A_347, %max3A_355 : vector<16xf32>
      %max3A_359 = arith.maximumf %min3A_349, %max3A_357 : vector<16xf32>
      %min3A_360 = arith.minimumf %min3A_349, %max3A_357 : vector<16xf32>
      %min3A_361 = arith.minimumf %min3A_350, %max3A_359 : vector<16xf32>
      %get3A_362 = arith.index_cast %add3A_295 : i32 to index
      %get3A_363 = arith.constant 96 : index
      %get3A_364 = tpu.vector_load %arg4[%get3A_362, %get3A_363] {strides = array<i32>} : memref<196x384xf32, #tpu.memory_space<vmem>>, vector<1x16xf32>,
      %get3A_365 = vector.shape_cast %get3A_364 : vector<1x16xf32> to vector<16xf32>
      %max3A_366 = arith.maximumf %min3A_356, %get3A_365 : vector<16xf32>
      %min3A_367 = arith.minimumf %min3A_356, %get3A_365 : vector<16xf32>
      %max3A_368 = arith.maximumf %min3A_358, %max3A_366 : vector<16xf32>
      %min3A_369 = arith.minimumf %min3A_358, %max3A_366 : vector<16xf32>
      %max3A_370 = arith.maximumf %min3A_360, %max3A_368 : vector<16xf32>
      %min3A_371 = arith.minimumf %min3A_360, %max3A_368 : vector<16xf32>
      %min3A_372 = arith.minimumf %min3A_361, %max3A_370 : vector<16xf32>
      %get3A_373 = arith.index_cast %add3A_295 : i32 to index
      %get3A_374 = arith.constant 112 : index
      %get3A_375 = tpu.vector_load %arg4[%get3A_373, %get3A_374] {strides = array<i32>} : memref<196x384xf32, #tpu.memory_space<vmem>>, vector<1x16xf32>,
      %get3A_376 = vector.shape_cast %get3A_375 : vector<1x16xf32> to vector<16xf32>
      %max3A_377 = arith.maximumf %min3A_367, %get3A_376 : vector<16xf32>
      %min3A_378 = arith.minimumf %min3A_367, %get3A_376 : vector<16xf32>
      %max3A_379 = arith.maximumf %min3A_369, %max3A_377 : vector<16xf32>
      %min3A_380 = arith.minimumf %min3A_369, %max3A_377 : vector<16xf32>
      %max3A_381 = arith.maximumf %min3A_371, %max3A_379 : vector<16xf32>
      %min3A_382 = arith.minimumf %min3A_371, %max3A_379 : vector<16xf32>
      %min3A_383 = arith.minimumf %min3A_372, %max3A_381 : vector<16xf32>
      %get3A_384 = arith.index_cast %add3A_295 : i32 to index
      %get3A_385 = arith.constant 128 : index
      %get3A_386 = tpu.vector_load %arg4[%get3A_384, %get3A_385] {strides = array<i32>} : memref<196x384xf32, #tpu.memory_space<vmem>>, vector<1x16xf32>,
      %get3A_387 = vector.shape_cast %get3A_386 : vector<1x16xf32> to vector<16xf32>
      %max3A_388 = arith.maximumf %min3A_378, %get3A_387 : vector<16xf32>
      %min3A_389 = arith.minimumf %min3A_378, %get3A_387 : vector<16xf32>
      %max3A_390 = arith.maximumf %min3A_380, %max3A_388 : vector<16xf32>
      %min3A_391 = arith.minimumf %min3A_380, %max3A_388 : vector<16xf32>
      %max3A_392 = arith.maximumf %min3A_382, %max3A_390 : vector<16xf32>
      %min3A_393 = arith.minimumf %min3A_382, %max3A_390 : vector<16xf32>
      %min3A_394 = arith.minimumf %min3A_383, %max3A_392 : vector<16xf32>
      %get3A_395 = arith.index_cast %add3A_295 : i32 to index
      %get3A_396 = arith.constant 144 : index
      %get3A_397 = tpu.vector_load %arg4[%get3A_395, %get3A_396] {strides = array<i32>} : memref<196x384xf32, #tpu.memory_space<vmem>>, vector<1x16xf32>,
      %get3A_398 = vector.shape_cast %get3A_397 : vector<1x16xf32> to vector<16xf32>
      %max3A_399 = arith.maximumf %min3A_389, %get3A_398 : vector<16xf32>
      %min3A_400 = arith.minimumf %min3A_389, %get3A_398 : vector<16xf32>
      %max3A_401 = arith.maximumf %min3A_391, %max3A_399 : vector<16xf32>
      %min3A_402 = arith.minimumf %min3A_391, %max3A_399 : vector<16xf32>
      %max3A_403 = arith.maximumf %min3A_393, %max3A_401 : vector<16xf32>
      %min3A_404 = arith.minimumf %min3A_393, %max3A_401 : vector<16xf32>
      %min3A_405 = arith.minimumf %min3A_394, %max3A_403 : vector<16xf32>
      %get3A_406 = arith.index_cast %add3A_295 : i32 to index
      %get3A_407 = arith.constant 160 : index
      %get3A_408 = tpu.vector_load %arg4[%get3A_406, %get3A_407] {strides = array<i32>} : memref<196x384xf32, #tpu.memory_space<vmem>>, vector<1x16xf32>,
      %get3A_409 = vector.shape_cast %get3A_408 : vector<1x16xf32> to vector<16xf32>
      %max3A_410 = arith.maximumf %min3A_400, %get3A_409 : vector<16xf32>
      %min3A_411 = arith.minimumf %min3A_400, %get3A_409 : vector<16xf32>
      %max3A_412 = arith.maximumf %min3A_402, %max3A_410 : vector<16xf32>
      %min3A_413 = arith.minimumf %min3A_402, %max3A_410 : vector<16xf32>
      %max3A_414 = arith.maximumf %min3A_404, %max3A_412 : vector<16xf32>
      %min3A_415 = arith.minimumf %min3A_404, %max3A_412 : vector<16xf32>
      %min3A_416 = arith.minimumf %min3A_405, %max3A_414 : vector<16xf32>
      %get3A_417 = arith.index_cast %add3A_295 : i32 to index
      %get3A_418 = arith.constant 176 : index
      %get3A_419 = tpu.vector_load %arg4[%get3A_417, %get3A_418] {strides = array<i32>} : memref<196x384xf32, #tpu.memory_space<vmem>>, vector<1x16xf32>,
      %get3A_420 = vector.shape_cast %get3A_419 : vector<1x16xf32> to vector<16xf32>
      %max3A_421 = arith.maximumf %min3A_411, %get3A_420 : vector<16xf32>
      %min3A_422 = arith.minimumf %min3A_411, %get3A_420 : vector<16xf32>
      %max3A_423 = arith.maximumf %min3A_413, %max3A_421 : vector<16xf32>
      %min3A_424 = arith.minimumf %min3A_413, %max3A_421 : vector<16xf32>
      %max3A_425 = arith.maximumf %min3A_415, %max3A_423 : vector<16xf32>
      %min3A_426 = arith.minimumf %min3A_415, %max3A_423 : vector<16xf32>
      %min3A_427 = arith.minimumf %min3A_416, %max3A_425 : vector<16xf32>
      %get3A_428 = arith.index_cast %add3A_295 : i32 to index
      %get3A_429 = arith.constant 192 : index
      %get3A_430 = tpu.vector_load %arg4[%get3A_428, %get3A_429] {strides = array<i32>} : memref<196x384xf32, #tpu.memory_space<vmem>>, vector<1x16xf32>,
      %get3A_431 = vector.shape_cast %get3A_430 : vector<1x16xf32> to vector<16xf32>
      %max3A_432 = arith.maximumf %min3A_422, %get3A_431 : vector<16xf32>
      %min3A_433 = arith.minimumf %min3A_422, %get3A_431 : vector<16xf32>
      %max3A_434 = arith.maximumf %min3A_424, %max3A_432 : vector<16xf32>
      %min3A_435 = arith.minimumf %min3A_424, %max3A_432 : vector<16xf32>
      %max3A_436 = arith.maximumf %min3A_426, %max3A_434 : vector<16xf32>
      %min3A_437 = arith.minimumf %min3A_426, %max3A_434 : vector<16xf32>
      %min3A_438 = arith.minimumf %min3A_427, %max3A_436 : vector<16xf32>
      %get3A_439 = arith.index_cast %add3A_295 : i32 to index
      %get3A_440 = arith.constant 208 : index
      %get3A_441 = tpu.vector_load %arg4[%get3A_439, %get3A_440] {strides = array<i32>} : memref<196x384xf32, #tpu.memory_space<vmem>>, vector<1x16xf32>,
      %get3A_442 = vector.shape_cast %get3A_441 : vector<1x16xf32> to vector<16xf32>
      %max3A_443 = arith.maximumf %min3A_433, %get3A_442 : vector<16xf32>
      %min3A_444 = arith.minimumf %min3A_433, %get3A_442 : vector<16xf32>
      %max3A_445 = arith.maximumf %min3A_435, %max3A_443 : vector<16xf32>
      %min3A_446 = arith.minimumf %min3A_435, %max3A_443 : vector<16xf32>
      %max3A_447 = arith.maximumf %min3A_437, %max3A_445 : vector<16xf32>
      %min3A_448 = arith.minimumf %min3A_437, %max3A_445 : vector<16xf32>
      %min3A_449 = arith.minimumf %min3A_438, %max3A_447 : vector<16xf32>
      %get3A_450 = arith.index_cast %add3A_295 : i32 to index
      %get3A_451 = arith.constant 224 : index
      %get3A_452 = tpu.vector_load %arg4[%get3A_450, %get3A_451] {strides = array<i32>} : memref<196x384xf32, #tpu.memory_space<vmem>>, vector<1x16xf32>,
      %get3A_453 = vector.shape_cast %get3A_452 : vector<1x16xf32> to vector<16xf32>
      %max3A_454 = arith.maximumf %min3A_444, %get3A_453 : vector<16xf32>
      %min3A_455 = arith.minimumf %min3A_444, %get3A_453 : vector<16xf32>
      %max3A_456 = arith.maximumf %min3A_446, %max3A_454 : vector<16xf32>
      %min3A_457 = arith.minimumf %min3A_446, %max3A_454 : vector<16xf32>
      %max3A_458 = arith.maximumf %min3A_448, %max3A_456 : vector<16xf32>
      %min3A_459 = arith.minimumf %min3A_448, %max3A_456 : vector<16xf32>
      %min3A_460 = arith.minimumf %min3A_449, %max3A_458 : vector<16xf32>
      %get3A_461 = arith.index_cast %add3A_295 : i32 to index
      %get3A_462 = arith.constant 240 : index
      %get3A_463 = tpu.vector_load %arg4[%get3A_461, %get3A_462] {strides = array<i32>} : memref<196x384xf32, #tpu.memory_space<vmem>>, vector<1x16xf32>,
      %get3A_464 = vector.shape_cast %get3A_463 : vector<1x16xf32> to vector<16xf32>
      %max3A_465 = arith.maximumf %min3A_455, %get3A_464 : vector<16xf32>
      %min3A_466 = arith.minimumf %min3A_455, %get3A_464 : vector<16xf32>
      %max3A_467 = arith.maximumf %min3A_457, %max3A_465 : vector<16xf32>
      %min3A_468 = arith.minimumf %min3A_457, %max3A_465 : vector<16xf32>
      %max3A_469 = arith.maximumf %min3A_459, %max3A_467 : vector<16xf32>
      %min3A_470 = arith.minimumf %min3A_459, %max3A_467 : vector<16xf32>
      %min3A_471 = arith.minimumf %min3A_460, %max3A_469 : vector<16xf32>
      %get3A_472 = arith.index_cast %add3A_295 : i32 to index
      %get3A_473 = arith.constant 256 : index
      %get3A_474 = tpu.vector_load %arg4[%get3A_472, %get3A_473] {strides = array<i32>} : memref<196x384xf32, #tpu.memory_space<vmem>>, vector<1x16xf32>,
      %get3A_475 = vector.shape_cast %get3A_474 : vector<1x16xf32> to vector<16xf32>
      %max3A_476 = arith.maximumf %min3A_466, %get3A_475 : vector<16xf32>
      %min3A_477 = arith.minimumf %min3A_466, %get3A_475 : vector<16xf32>
      %max3A_478 = arith.maximumf %min3A_468, %max3A_476 : vector<16xf32>
      %min3A_479 = arith.minimumf %min3A_468, %max3A_476 : vector<16xf32>
      %max3A_480 = arith.maximumf %min3A_470, %max3A_478 : vector<16xf32>
      %min3A_481 = arith.minimumf %min3A_470, %max3A_478 : vector<16xf32>
      %min3A_482 = arith.minimumf %min3A_471, %max3A_480 : vector<16xf32>
      %get3A_483 = arith.index_cast %add3A_295 : i32 to index
      %get3A_484 = arith.constant 272 : index
      %get3A_485 = tpu.vector_load %arg4[%get3A_483, %get3A_484] {strides = array<i32>} : memref<196x384xf32, #tpu.memory_space<vmem>>, vector<1x16xf32>,
      %get3A_486 = vector.shape_cast %get3A_485 : vector<1x16xf32> to vector<16xf32>
      %max3A_487 = arith.maximumf %min3A_477, %get3A_486 : vector<16xf32>
      %min3A_488 = arith.minimumf %min3A_477, %get3A_486 : vector<16xf32>
      %max3A_489 = arith.maximumf %min3A_479, %max3A_487 : vector<16xf32>
      %min3A_490 = arith.minimumf %min3A_479, %max3A_487 : vector<16xf32>
      %max3A_491 = arith.maximumf %min3A_481, %max3A_489 : vector<16xf32>
      %min3A_492 = arith.minimumf %min3A_481, %max3A_489 : vector<16xf32>
      %min3A_493 = arith.minimumf %min3A_482, %max3A_491 : vector<16xf32>
      %get3A_494 = arith.index_cast %add3A_295 : i32 to index
      %get3A_495 = arith.constant 288 : index
      %get3A_496 = tpu.vector_load %arg4[%get3A_494, %get3A_495] {strides = array<i32>} : memref<196x384xf32, #tpu.memory_space<vmem>>, vector<1x16xf32>,
      %get3A_497 = vector.shape_cast %get3A_496 : vector<1x16xf32> to vector<16xf32>
      %max3A_498 = arith.maximumf %min3A_488, %get3A_497 : vector<16xf32>
      %min3A_499 = arith.minimumf %min3A_488, %get3A_497 : vector<16xf32>
      %max3A_500 = arith.maximumf %min3A_490, %max3A_498 : vector<16xf32>
      %min3A_501 = arith.minimumf %min3A_490, %max3A_498 : vector<16xf32>
      %max3A_502 = arith.maximumf %min3A_492, %max3A_500 : vector<16xf32>
      %min3A_503 = arith.minimumf %min3A_492, %max3A_500 : vector<16xf32>
      %min3A_504 = arith.minimumf %min3A_493, %max3A_502 : vector<16xf32>
      %get3A_505 = arith.index_cast %add3A_295 : i32 to index
      %get3A_506 = arith.constant 304 : index
      %get3A_507 = tpu.vector_load %arg4[%get3A_505, %get3A_506] {strides = array<i32>} : memref<196x384xf32, #tpu.memory_space<vmem>>, vector<1x16xf32>,
      %get3A_508 = vector.shape_cast %get3A_507 : vector<1x16xf32> to vector<16xf32>
      %max3A_509 = arith.maximumf %min3A_499, %get3A_508 : vector<16xf32>
      %min3A_510 = arith.minimumf %min3A_499, %get3A_508 : vector<16xf32>
      %max3A_511 = arith.maximumf %min3A_501, %max3A_509 : vector<16xf32>
      %min3A_512 = arith.minimumf %min3A_501, %max3A_509 : vector<16xf32>
      %max3A_513 = arith.maximumf %min3A_503, %max3A_511 : vector<16xf32>
      %min3A_514 = arith.minimumf %min3A_503, %max3A_511 : vector<16xf32>
      %min3A_515 = arith.minimumf %min3A_504, %max3A_513 : vector<16xf32>
      %get3A_516 = arith.index_cast %add3A_295 : i32 to index
      %get3A_517 = arith.constant 320 : index
      %get3A_518 = tpu.vector_load %arg4[%get3A_516, %get3A_517] {strides = array<i32>} : memref<196x384xf32, #tpu.memory_space<vmem>>, vector<1x16xf32>,
      %get3A_519 = vector.shape_cast %get3A_518 : vector<1x16xf32> to vector<16xf32>
      %max3A_520 = arith.maximumf %min3A_510, %get3A_519 : vector<16xf32>
      %min3A_521 = arith.minimumf %min3A_510, %get3A_519 : vector<16xf32>
      %max3A_522 = arith.maximumf %min3A_512, %max3A_520 : vector<16xf32>
      %min3A_523 = arith.minimumf %min3A_512, %max3A_520 : vector<16xf32>
      %max3A_524 = arith.maximumf %min3A_514, %max3A_522 : vector<16xf32>
      %min3A_525 = arith.minimumf %min3A_514, %max3A_522 : vector<16xf32>
      %min3A_526 = arith.minimumf %min3A_515, %max3A_524 : vector<16xf32>
      %get3A_527 = arith.index_cast %add3A_295 : i32 to index
      %get3A_528 = arith.constant 336 : index
      %get3A_529 = tpu.vector_load %arg4[%get3A_527, %get3A_528] {strides = array<i32>} : memref<196x384xf32, #tpu.memory_space<vmem>>, vector<1x16xf32>,
      %get3A_530 = vector.shape_cast %get3A_529 : vector<1x16xf32> to vector<16xf32>
      %max3A_531 = arith.maximumf %min3A_521, %get3A_530 : vector<16xf32>
      %min3A_532 = arith.minimumf %min3A_521, %get3A_530 : vector<16xf32>
      %max3A_533 = arith.maximumf %min3A_523, %max3A_531 : vector<16xf32>
      %min3A_534 = arith.minimumf %min3A_523, %max3A_531 : vector<16xf32>
      %max3A_535 = arith.maximumf %min3A_525, %max3A_533 : vector<16xf32>
      %min3A_536 = arith.minimumf %min3A_525, %max3A_533 : vector<16xf32>
      %min3A_537 = arith.minimumf %min3A_526, %max3A_535 : vector<16xf32>
      %get3A_538 = arith.index_cast %add3A_295 : i32 to index
      %get3A_539 = arith.constant 352 : index
      %get3A_540 = tpu.vector_load %arg4[%get3A_538, %get3A_539] {strides = array<i32>} : memref<196x384xf32, #tpu.memory_space<vmem>>, vector<1x16xf32>,
      %get3A_541 = vector.shape_cast %get3A_540 : vector<1x16xf32> to vector<16xf32>
      %max3A_542 = arith.maximumf %min3A_532, %get3A_541 : vector<16xf32>
      %min3A_543 = arith.minimumf %min3A_532, %get3A_541 : vector<16xf32>
      %max3A_544 = arith.maximumf %min3A_534, %max3A_542 : vector<16xf32>
      %min3A_545 = arith.minimumf %min3A_534, %max3A_542 : vector<16xf32>
      %max3A_546 = arith.maximumf %min3A_536, %max3A_544 : vector<16xf32>
      %min3A_547 = arith.minimumf %min3A_536, %max3A_544 : vector<16xf32>
      %min3A_548 = arith.minimumf %min3A_537, %max3A_546 : vector<16xf32>
      %get3A_549 = arith.index_cast %add3A_295 : i32 to index
      %get3A_550 = arith.constant 368 : index
      %get3A_551 = tpu.vector_load %arg4[%get3A_549, %get3A_550] {strides = array<i32>} : memref<196x384xf32, #tpu.memory_space<vmem>>, vector<1x16xf32>,
      %get3A_552 = vector.shape_cast %get3A_551 : vector<1x16xf32> to vector<16xf32>
      %max3A_553 = arith.maximumf %min3A_543, %get3A_552 : vector<16xf32>
      %min3A_554 = arith.minimumf %min3A_543, %get3A_552 : vector<16xf32>
      %max3A_555 = arith.maximumf %min3A_545, %max3A_553 : vector<16xf32>
      %min3A_556 = arith.minimumf %min3A_545, %max3A_553 : vector<16xf32>
      %max3A_557 = arith.maximumf %min3A_547, %max3A_555 : vector<16xf32>
      %min3A_558 = arith.minimumf %min3A_547, %max3A_555 : vector<16xf32>
      %min3A_559 = arith.minimumf %min3A_548, %max3A_557 : vector<16xf32>
      %swap3A_560 = arith.index_cast %add3A_295 : i32 to index
      %swap3A_561 = arith.constant 0 : index
      %swap3A_562 = tpu.vector_load %arg5[%swap3A_560, %swap3A_561] {strides = array<i32>} : memref<196x64xf32, #tpu.memory_space<vmem>>, vector<1x16xf32>,
      %swap3A_563 = vector.shape_cast %swap3A_562 : vector<1x16xf32> to vector<16xf32>
      %swap3A_564 = vector.shape_cast %min3A_554 : vector<16xf32> to vector<1x16xf32>
      tpu.vector_store %arg5[%swap3A_560, %swap3A_561], %swap3A_564 {strides = array<i32>} : memref<196x64xf32, #tpu.memory_space<vmem>>, vector<1x16xf32>,
      %swap3A_565 = arith.index_cast %add3A_295 : i32 to index
      %swap3A_566 = arith.constant 16 : index
      %swap3A_567 = tpu.vector_load %arg5[%swap3A_565, %swap3A_566] {strides = array<i32>} : memref<196x64xf32, #tpu.memory_space<vmem>>, vector<1x16xf32>,
      %swap3A_568 = vector.shape_cast %swap3A_567 : vector<1x16xf32> to vector<16xf32>
      %swap3A_569 = vector.shape_cast %min3A_556 : vector<16xf32> to vector<1x16xf32>
      tpu.vector_store %arg5[%swap3A_565, %swap3A_566], %swap3A_569 {strides = array<i32>} : memref<196x64xf32, #tpu.memory_space<vmem>>, vector<1x16xf32>,
      %swap3A_570 = arith.index_cast %add3A_295 : i32 to index
      %swap3A_571 = arith.constant 32 : index
      %swap3A_572 = tpu.vector_load %arg5[%swap3A_570, %swap3A_571] {strides = array<i32>} : memref<196x64xf32, #tpu.memory_space<vmem>>, vector<1x16xf32>,
      %swap3A_573 = vector.shape_cast %swap3A_572 : vector<1x16xf32> to vector<16xf32>
      %swap3A_574 = vector.shape_cast %min3A_558 : vector<16xf32> to vector<1x16xf32>
      tpu.vector_store %arg5[%swap3A_570, %swap3A_571], %swap3A_574 {strides = array<i32>} : memref<196x64xf32, #tpu.memory_space<vmem>>, vector<1x16xf32>,
      %swap3A_575 = arith.index_cast %add3A_295 : i32 to index
      %swap3A_576 = arith.constant 48 : index
      %swap3A_577 = tpu.vector_load %arg5[%swap3A_575, %swap3A_576] {strides = array<i32>} : memref<196x64xf32, #tpu.memory_space<vmem>>, vector<1x16xf32>,
      %swap3A_578 = vector.shape_cast %swap3A_577 : vector<1x16xf32> to vector<16xf32>
      %swap3A_579 = vector.shape_cast %min3A_559 : vector<16xf32> to vector<1x16xf32>
      tpu.vector_store %arg5[%swap3A_575, %swap3A_576], %swap3A_579 {strides = array<i32>} : memref<196x64xf32, #tpu.memory_space<vmem>>, vector<1x16xf32>,
    }
    %scan3A_5 = arith.constant 98 : i32
    "tpu.region"() ({
      %run_scoped3A = tpu.sem_alloc : memref<!tpu.dma_semaphore, #tpu.memory_space<semaphore_mem>>
      %dma_start3A = arith.constant 0 : i32
      %dma_start3A_6 = arith.constant 0 : i32
      %dma_start3A_7 = tpu.memref_slice %arg3[%add3A, %dma_start3A, %dma_start3A_6] : memref<32x196x64xf32, #tpu.memory_space<hbm>> -> memref<1x196x64xf32, #tpu.memory_space<hbm>>
      %dma_start3A_8 = tpu.memref_squeeze %dma_start3A_7 : memref<1x196x64xf32, #tpu.memory_space<hbm>> -> memref<196x64xf32, #tpu.memory_space<hbm>>
      %dma_start3A_9 = arith.constant 0 : i32
      %dma_start3A_10 = arith.constant 0 : i32
      %dma_start3A_11 = tpu.memref_slice %arg3[%add3A, %dma_start3A_9, %dma_start3A_10] : memref<32x196x64xf32, #tpu.memory_space<hbm>> -> memref<1x196x64xf32, #tpu.memory_space<hbm>>
      %dma_start3A_12 = tpu.memref_squeeze %dma_start3A_11 : memref<1x196x64xf32, #tpu.memory_space<hbm>> -> memref<196x64xf32, #tpu.memory_space<hbm>>
      tpu.enqueue_dma source(%arg5 : memref<196x64xf32, #tpu.memory_space<vmem>>) target(%dma_start3A_12 : memref<196x64xf32, #tpu.memory_space<hbm>>) target_semaphore(%run_scoped3A : memref<!tpu.dma_semaphore, #tpu.memory_space<semaphore_mem>>)
      %dma_wait3A = arith.constant 0 : i32
      %dma_wait3A_13 = arith.constant 0 : i32
      %dma_wait3A_14 = tpu.memref_slice %arg3[%add3A, %dma_wait3A, %dma_wait3A_13] : memref<32x196x64xf32, #tpu.memory_space<hbm>> -> memref<1x196x64xf32, #tpu.memory_space<hbm>>
      %dma_wait3A_15 = tpu.memref_squeeze %dma_wait3A_14 : memref<1x196x64xf32, #tpu.memory_space<hbm>> -> memref<196x64xf32, #tpu.memory_space<hbm>>
      %dma_wait3A_16 = arith.constant 0 : i32
      %dma_wait3A_17 = arith.constant 0 : i32
      %dma_wait3A_18 = tpu.memref_slice %arg3[%add3A, %dma_wait3A_16, %dma_wait3A_17] : memref<32x196x64xf32, #tpu.memory_space<hbm>> -> memref<1x196x64xf32, #tpu.memory_space<hbm>>
      %dma_wait3A_19 = tpu.memref_squeeze %dma_wait3A_18 : memref<1x196x64xf32, #tpu.memory_space<hbm>> -> memref<196x64xf32, #tpu.memory_space<hbm>>
      tpu.wait_dma2 semaphore(%run_scoped3A : memref<!tpu.dma_semaphore, #tpu.memory_space<semaphore_mem>>) src(%arg5 : memref<196x64xf32, #tpu.memory_space<vmem>>) dst(%dma_wait3A_19 : memref<196x64xf32, #tpu.memory_space<hbm>>)
      tpu.yield
    }) : () -> ()
    return
  }
}

module attributes {stable_mosaic.version = 14 : i64} {
  func.func @_main_body(%arg0: i32, %arg1: i32, %arg2: memref<896x1536xbf16, #tpu.memory_space<vmem>>, %arg3: memref<2048x1536xbf16, #tpu.memory_space<vmem>>, %arg4: memref<1x2048xf32, #tpu.memory_space<vmem>>, %arg5: memref<896x384xf32, #tpu.memory_space<vmem>>, %arg6: memref<896x128xf32, #tpu.memory_space<vmem>>, %arg7: memref<896x128xf32, #tpu.memory_space<vmem>>, %arg8: memref<896x128xf32, #tpu.memory_space<vmem>>) attributes {dimension_semantics = [#tpu.dimension_semantics<parallel>, #tpu.dimension_semantics<arbitrary>], iteration_bounds = array<i64: 7, 4>, scalar_prefetch = 0 : i64, scratch_operands = 3 : i64, tpu.core_type = #tpu.core_type<tc>, window_params = [{transform_indices = @transform_0, window_bounds = array<i64: 896, 1536>}, {transform_indices = @transform_1, window_bounds = array<i64: 2048, 1536>}, {transform_indices = @transform_2, window_bounds = array<i64: 1, 2048>}, {transform_indices = @transform_3, window_bounds = array<i64: 896, 384>}]} {
    %eq3A = arith.constant 0 : i32
    %eq3A_0 = arith.cmpi eq, %arg1, %eq3A : i32
    %convert_element_type3A = arith.extui %eq3A_0 : i1 to i32
    %cond3A = arith.constant 0 : i32
    %cond3A_1 = arith.cmpi ne, %convert_element_type3A, %cond3A : i32
    scf.if %cond3A_1 {
      %broadcast_in_dim3A = arith.constant 0x7F800000 : f32
      %broadcast_in_dim3A_197 = vector.broadcast %broadcast_in_dim3A : f32 to vector<896x128xf32>
      %swap3A_198 = arith.constant 0 : index
      %swap3A_199 = arith.constant 0 : index
      %swap3A_200 = vector.load %arg6[%swap3A_198, %swap3A_199] : memref<896x128xf32, #tpu.memory_space<vmem>>, vector<896x128xf32>
      tpu.vector_store %arg6[%swap3A_198, %swap3A_199], %broadcast_in_dim3A_197 {strides = array<i32>} : memref<896x128xf32, #tpu.memory_space<vmem>>, vector<896x128xf32>,
      %broadcast_in_dim3A_201 = arith.constant 0x7F800000 : f32
      %broadcast_in_dim3A_202 = vector.broadcast %broadcast_in_dim3A_201 : f32 to vector<896x128xf32>
      %swap3A_203 = arith.constant 0 : index
      %swap3A_204 = arith.constant 0 : index
      %swap3A_205 = vector.load %arg7[%swap3A_203, %swap3A_204] : memref<896x128xf32, #tpu.memory_space<vmem>>, vector<896x128xf32>
      tpu.vector_store %arg7[%swap3A_203, %swap3A_204], %broadcast_in_dim3A_202 {strides = array<i32>} : memref<896x128xf32, #tpu.memory_space<vmem>>, vector<896x128xf32>,
      %broadcast_in_dim3A_206 = arith.constant 0x7F800000 : f32
      %broadcast_in_dim3A_207 = vector.broadcast %broadcast_in_dim3A_206 : f32 to vector<896x128xf32>
      %swap3A_208 = arith.constant 0 : index
      %swap3A_209 = arith.constant 0 : index
      %swap3A_210 = vector.load %arg8[%swap3A_208, %swap3A_209] : memref<896x128xf32, #tpu.memory_space<vmem>>, vector<896x128xf32>
      tpu.vector_store %arg8[%swap3A_208, %swap3A_209], %broadcast_in_dim3A_207 {strides = array<i32>} : memref<896x128xf32, #tpu.memory_space<vmem>>, vector<896x128xf32>,
    } else {
    }
    %get3A = arith.constant 0 : index
    %get3A_2 = arith.constant 0 : index
    %get3A_3 = vector.load %arg2[%get3A, %get3A_2] : memref<896x1536xbf16, #tpu.memory_space<vmem>>, vector<896x1536xbf16>
    %get3A_4 = arith.constant 0 : index
    %get3A_5 = arith.constant 0 : index
    %get3A_6 = vector.load %arg6[%get3A_4, %get3A_5] : memref<896x128xf32, #tpu.memory_space<vmem>>, vector<896x128xf32>
    %get3A_7 = arith.constant 0 : index
    %get3A_8 = arith.constant 0 : index
    %get3A_9 = vector.load %arg7[%get3A_7, %get3A_8] : memref<896x128xf32, #tpu.memory_space<vmem>>, vector<896x128xf32>
    %get3A_10 = arith.constant 0 : index
    %get3A_11 = arith.constant 0 : index
    %get3A_12 = vector.load %arg8[%get3A_10, %get3A_11] : memref<896x128xf32, #tpu.memory_space<vmem>>, vector<896x128xf32>
    %get3A_13 = arith.constant 0 : index
    %get3A_14 = arith.constant 0 : index
    %get3A_15 = vector.load %arg3[%get3A_13, %get3A_14] : memref<2048x1536xbf16, #tpu.memory_space<vmem>>, vector<256x1536xbf16>
    %dot_general3A = arith.constant dense<0.000000e+00> : vector<896x256xf32>
    %dot_general3A_16 = tpu.matmul %get3A_3, %get3A_15, %dot_general3A {dimension_numbers = #tpu.dot_dimension_numbers<[1], [1], [0], [0], [0, 0, 1, 0], [], []>, transpose_lhs_hint = false} : vector<896x1536xbf16>, vector<256x1536xbf16>, vector<896x256xf32> -> vector<896x256xf32>
    %get3A_17 = arith.constant 0 : index
    %get3A_18 = arith.constant 0 : index
    %get3A_19 = vector.load %arg4[%get3A_17, %get3A_18] : memref<1x2048xf32, #tpu.memory_space<vmem>>, vector<1x256xf32>
    %add3A = vector.broadcast %get3A_19 : vector<1x256xf32> to vector<896x256xf32>
    %add3A_20 = arith.addf %add3A, %dot_general3A_16 : vector<896x256xf32>
    %slice3A = vector.extract_strided_slice %add3A_20 {offsets = [0, 0], sizes = [896, 128], strides = [1, 1]} : vector<896x256xf32> to vector<896x128xf32>
    %max3A = arith.maximumf %get3A_6, %slice3A : vector<896x128xf32>
    %min3A = arith.minimumf %get3A_6, %slice3A : vector<896x128xf32>
    %max3A_21 = arith.maximumf %get3A_9, %max3A : vector<896x128xf32>
    %min3A_22 = arith.minimumf %get3A_9, %max3A : vector<896x128xf32>
    %min3A_23 = arith.minimumf %get3A_12, %max3A_21 : vector<896x128xf32>
    %slice3A_24 = vector.extract_strided_slice %add3A_20 {offsets = [0, 128], sizes = [896, 128], strides = [1, 1]} : vector<896x256xf32> to vector<896x128xf32>
    %max3A_25 = arith.maximumf %min3A, %slice3A_24 : vector<896x128xf32>
    %min3A_26 = arith.minimumf %min3A, %slice3A_24 : vector<896x128xf32>
    %max3A_27 = arith.maximumf %min3A_22, %max3A_25 : vector<896x128xf32>
    %min3A_28 = arith.minimumf %min3A_22, %max3A_25 : vector<896x128xf32>
    %min3A_29 = arith.minimumf %min3A_23, %max3A_27 : vector<896x128xf32>
    %get3A_30 = arith.constant 256 : index
    %get3A_31 = arith.constant 0 : index
    %get3A_32 = vector.load %arg3[%get3A_30, %get3A_31] : memref<2048x1536xbf16, #tpu.memory_space<vmem>>, vector<256x1536xbf16>
    %dot_general3A_33 = arith.constant dense<0.000000e+00> : vector<896x256xf32>
    %dot_general3A_34 = tpu.matmul %get3A_3, %get3A_32, %dot_general3A_33 {dimension_numbers = #tpu.dot_dimension_numbers<[1], [1], [0], [0], [0, 0, 1, 0], [], []>, transpose_lhs_hint = false} : vector<896x1536xbf16>, vector<256x1536xbf16>, vector<896x256xf32> -> vector<896x256xf32>
    %get3A_35 = arith.constant 0 : index
    %get3A_36 = arith.constant 256 : index
    %get3A_37 = vector.load %arg4[%get3A_35, %get3A_36] : memref<1x2048xf32, #tpu.memory_space<vmem>>, vector<1x256xf32>
    %add3A_38 = vector.broadcast %get3A_37 : vector<1x256xf32> to vector<896x256xf32>
    %add3A_39 = arith.addf %add3A_38, %dot_general3A_34 : vector<896x256xf32>
    %slice3A_40 = vector.extract_strided_slice %add3A_39 {offsets = [0, 0], sizes = [896, 128], strides = [1, 1]} : vector<896x256xf32> to vector<896x128xf32>
    %max3A_41 = arith.maximumf %min3A_26, %slice3A_40 : vector<896x128xf32>
    %min3A_42 = arith.minimumf %min3A_26, %slice3A_40 : vector<896x128xf32>
    %max3A_43 = arith.maximumf %min3A_28, %max3A_41 : vector<896x128xf32>
    %min3A_44 = arith.minimumf %min3A_28, %max3A_41 : vector<896x128xf32>
    %min3A_45 = arith.minimumf %min3A_29, %max3A_43 : vector<896x128xf32>
    %slice3A_46 = vector.extract_strided_slice %add3A_39 {offsets = [0, 128], sizes = [896, 128], strides = [1, 1]} : vector<896x256xf32> to vector<896x128xf32>
    %max3A_47 = arith.maximumf %min3A_42, %slice3A_46 : vector<896x128xf32>
    %min3A_48 = arith.minimumf %min3A_42, %slice3A_46 : vector<896x128xf32>
    %max3A_49 = arith.maximumf %min3A_44, %max3A_47 : vector<896x128xf32>
    %min3A_50 = arith.minimumf %min3A_44, %max3A_47 : vector<896x128xf32>
    %min3A_51 = arith.minimumf %min3A_45, %max3A_49 : vector<896x128xf32>
    %get3A_52 = arith.constant 512 : index
    %get3A_53 = arith.constant 0 : index
    %get3A_54 = vector.load %arg3[%get3A_52, %get3A_53] : memref<2048x1536xbf16, #tpu.memory_space<vmem>>, vector<256x1536xbf16>
    %dot_general3A_55 = arith.constant dense<0.000000e+00> : vector<896x256xf32>
    %dot_general3A_56 = tpu.matmul %get3A_3, %get3A_54, %dot_general3A_55 {dimension_numbers = #tpu.dot_dimension_numbers<[1], [1], [0], [0], [0, 0, 1, 0], [], []>, transpose_lhs_hint = false} : vector<896x1536xbf16>, vector<256x1536xbf16>, vector<896x256xf32> -> vector<896x256xf32>
    %get3A_57 = arith.constant 0 : index
    %get3A_58 = arith.constant 512 : index
    %get3A_59 = vector.load %arg4[%get3A_57, %get3A_58] : memref<1x2048xf32, #tpu.memory_space<vmem>>, vector<1x256xf32>
    %add3A_60 = vector.broadcast %get3A_59 : vector<1x256xf32> to vector<896x256xf32>
    %add3A_61 = arith.addf %add3A_60, %dot_general3A_56 : vector<896x256xf32>
    %slice3A_62 = vector.extract_strided_slice %add3A_61 {offsets = [0, 0], sizes = [896, 128], strides = [1, 1]} : vector<896x256xf32> to vector<896x128xf32>
    %max3A_63 = arith.maximumf %min3A_48, %slice3A_62 : vector<896x128xf32>
    %min3A_64 = arith.minimumf %min3A_48, %slice3A_62 : vector<896x128xf32>
    %max3A_65 = arith.maximumf %min3A_50, %max3A_63 : vector<896x128xf32>
    %min3A_66 = arith.minimumf %min3A_50, %max3A_63 : vector<896x128xf32>
    %min3A_67 = arith.minimumf %min3A_51, %max3A_65 : vector<896x128xf32>
    %slice3A_68 = vector.extract_strided_slice %add3A_61 {offsets = [0, 128], sizes = [896, 128], strides = [1, 1]} : vector<896x256xf32> to vector<896x128xf32>
    %max3A_69 = arith.maximumf %min3A_64, %slice3A_68 : vector<896x128xf32>
    %min3A_70 = arith.minimumf %min3A_64, %slice3A_68 : vector<896x128xf32>
    %max3A_71 = arith.maximumf %min3A_66, %max3A_69 : vector<896x128xf32>
    %min3A_72 = arith.minimumf %min3A_66, %max3A_69 : vector<896x128xf32>
    %min3A_73 = arith.minimumf %min3A_67, %max3A_71 : vector<896x128xf32>
    %get3A_74 = arith.constant 768 : index
    %get3A_75 = arith.constant 0 : index
    %get3A_76 = vector.load %arg3[%get3A_74, %get3A_75] : memref<2048x1536xbf16, #tpu.memory_space<vmem>>, vector<256x1536xbf16>
    %dot_general3A_77 = arith.constant dense<0.000000e+00> : vector<896x256xf32>
    %dot_general3A_78 = tpu.matmul %get3A_3, %get3A_76, %dot_general3A_77 {dimension_numbers = #tpu.dot_dimension_numbers<[1], [1], [0], [0], [0, 0, 1, 0], [], []>, transpose_lhs_hint = false} : vector<896x1536xbf16>, vector<256x1536xbf16>, vector<896x256xf32> -> vector<896x256xf32>
    %get3A_79 = arith.constant 0 : index
    %get3A_80 = arith.constant 768 : index
    %get3A_81 = vector.load %arg4[%get3A_79, %get3A_80] : memref<1x2048xf32, #tpu.memory_space<vmem>>, vector<1x256xf32>
    %add3A_82 = vector.broadcast %get3A_81 : vector<1x256xf32> to vector<896x256xf32>
    %add3A_83 = arith.addf %add3A_82, %dot_general3A_78 : vector<896x256xf32>
    %slice3A_84 = vector.extract_strided_slice %add3A_83 {offsets = [0, 0], sizes = [896, 128], strides = [1, 1]} : vector<896x256xf32> to vector<896x128xf32>
    %max3A_85 = arith.maximumf %min3A_70, %slice3A_84 : vector<896x128xf32>
    %min3A_86 = arith.minimumf %min3A_70, %slice3A_84 : vector<896x128xf32>
    %max3A_87 = arith.maximumf %min3A_72, %max3A_85 : vector<896x128xf32>
    %min3A_88 = arith.minimumf %min3A_72, %max3A_85 : vector<896x128xf32>
    %min3A_89 = arith.minimumf %min3A_73, %max3A_87 : vector<896x128xf32>
    %slice3A_90 = vector.extract_strided_slice %add3A_83 {offsets = [0, 128], sizes = [896, 128], strides = [1, 1]} : vector<896x256xf32> to vector<896x128xf32>
    %max3A_91 = arith.maximumf %min3A_86, %slice3A_90 : vector<896x128xf32>
    %min3A_92 = arith.minimumf %min3A_86, %slice3A_90 : vector<896x128xf32>
    %max3A_93 = arith.maximumf %min3A_88, %max3A_91 : vector<896x128xf32>
    %min3A_94 = arith.minimumf %min3A_88, %max3A_91 : vector<896x128xf32>
    %min3A_95 = arith.minimumf %min3A_89, %max3A_93 : vector<896x128xf32>
    %get3A_96 = arith.constant 1024 : index
    %get3A_97 = arith.constant 0 : index
    %get3A_98 = vector.load %arg3[%get3A_96, %get3A_97] : memref<2048x1536xbf16, #tpu.memory_space<vmem>>, vector<256x1536xbf16>
    %dot_general3A_99 = arith.constant dense<0.000000e+00> : vector<896x256xf32>
    %dot_general3A_100 = tpu.matmul %get3A_3, %get3A_98, %dot_general3A_99 {dimension_numbers = #tpu.dot_dimension_numbers<[1], [1], [0], [0], [0, 0, 1, 0], [], []>, transpose_lhs_hint = false} : vector<896x1536xbf16>, vector<256x1536xbf16>, vector<896x256xf32> -> vector<896x256xf32>
    %get3A_101 = arith.constant 0 : index
    %get3A_102 = arith.constant 1024 : index
    %get3A_103 = vector.load %arg4[%get3A_101, %get3A_102] : memref<1x2048xf32, #tpu.memory_space<vmem>>, vector<1x256xf32>
    %add3A_104 = vector.broadcast %get3A_103 : vector<1x256xf32> to vector<896x256xf32>
    %add3A_105 = arith.addf %add3A_104, %dot_general3A_100 : vector<896x256xf32>
    %slice3A_106 = vector.extract_strided_slice %add3A_105 {offsets = [0, 0], sizes = [896, 128], strides = [1, 1]} : vector<896x256xf32> to vector<896x128xf32>
    %max3A_107 = arith.maximumf %min3A_92, %slice3A_106 : vector<896x128xf32>
    %min3A_108 = arith.minimumf %min3A_92, %slice3A_106 : vector<896x128xf32>
    %max3A_109 = arith.maximumf %min3A_94, %max3A_107 : vector<896x128xf32>
    %min3A_110 = arith.minimumf %min3A_94, %max3A_107 : vector<896x128xf32>
    %min3A_111 = arith.minimumf %min3A_95, %max3A_109 : vector<896x128xf32>
    %slice3A_112 = vector.extract_strided_slice %add3A_105 {offsets = [0, 128], sizes = [896, 128], strides = [1, 1]} : vector<896x256xf32> to vector<896x128xf32>
    %max3A_113 = arith.maximumf %min3A_108, %slice3A_112 : vector<896x128xf32>
    %min3A_114 = arith.minimumf %min3A_108, %slice3A_112 : vector<896x128xf32>
    %max3A_115 = arith.maximumf %min3A_110, %max3A_113 : vector<896x128xf32>
    %min3A_116 = arith.minimumf %min3A_110, %max3A_113 : vector<896x128xf32>
    %min3A_117 = arith.minimumf %min3A_111, %max3A_115 : vector<896x128xf32>
    %get3A_118 = arith.constant 1280 : index
    %get3A_119 = arith.constant 0 : index
    %get3A_120 = vector.load %arg3[%get3A_118, %get3A_119] : memref<2048x1536xbf16, #tpu.memory_space<vmem>>, vector<256x1536xbf16>
    %dot_general3A_121 = arith.constant dense<0.000000e+00> : vector<896x256xf32>
    %dot_general3A_122 = tpu.matmul %get3A_3, %get3A_120, %dot_general3A_121 {dimension_numbers = #tpu.dot_dimension_numbers<[1], [1], [0], [0], [0, 0, 1, 0], [], []>, transpose_lhs_hint = false} : vector<896x1536xbf16>, vector<256x1536xbf16>, vector<896x256xf32> -> vector<896x256xf32>
    %get3A_123 = arith.constant 0 : index
    %get3A_124 = arith.constant 1280 : index
    %get3A_125 = vector.load %arg4[%get3A_123, %get3A_124] : memref<1x2048xf32, #tpu.memory_space<vmem>>, vector<1x256xf32>
    %add3A_126 = vector.broadcast %get3A_125 : vector<1x256xf32> to vector<896x256xf32>
    %add3A_127 = arith.addf %add3A_126, %dot_general3A_122 : vector<896x256xf32>
    %slice3A_128 = vector.extract_strided_slice %add3A_127 {offsets = [0, 0], sizes = [896, 128], strides = [1, 1]} : vector<896x256xf32> to vector<896x128xf32>
    %max3A_129 = arith.maximumf %min3A_114, %slice3A_128 : vector<896x128xf32>
    %min3A_130 = arith.minimumf %min3A_114, %slice3A_128 : vector<896x128xf32>
    %max3A_131 = arith.maximumf %min3A_116, %max3A_129 : vector<896x128xf32>
    %min3A_132 = arith.minimumf %min3A_116, %max3A_129 : vector<896x128xf32>
    %min3A_133 = arith.minimumf %min3A_117, %max3A_131 : vector<896x128xf32>
    %slice3A_134 = vector.extract_strided_slice %add3A_127 {offsets = [0, 128], sizes = [896, 128], strides = [1, 1]} : vector<896x256xf32> to vector<896x128xf32>
    %max3A_135 = arith.maximumf %min3A_130, %slice3A_134 : vector<896x128xf32>
    %min3A_136 = arith.minimumf %min3A_130, %slice3A_134 : vector<896x128xf32>
    %max3A_137 = arith.maximumf %min3A_132, %max3A_135 : vector<896x128xf32>
    %min3A_138 = arith.minimumf %min3A_132, %max3A_135 : vector<896x128xf32>
    %min3A_139 = arith.minimumf %min3A_133, %max3A_137 : vector<896x128xf32>
    %get3A_140 = arith.constant 1536 : index
    %get3A_141 = arith.constant 0 : index
    %get3A_142 = vector.load %arg3[%get3A_140, %get3A_141] : memref<2048x1536xbf16, #tpu.memory_space<vmem>>, vector<256x1536xbf16>
    %dot_general3A_143 = arith.constant dense<0.000000e+00> : vector<896x256xf32>
    %dot_general3A_144 = tpu.matmul %get3A_3, %get3A_142, %dot_general3A_143 {dimension_numbers = #tpu.dot_dimension_numbers<[1], [1], [0], [0], [0, 0, 1, 0], [], []>, transpose_lhs_hint = false} : vector<896x1536xbf16>, vector<256x1536xbf16>, vector<896x256xf32> -> vector<896x256xf32>
    %get3A_145 = arith.constant 0 : index
    %get3A_146 = arith.constant 1536 : index
    %get3A_147 = vector.load %arg4[%get3A_145, %get3A_146] : memref<1x2048xf32, #tpu.memory_space<vmem>>, vector<1x256xf32>
    %add3A_148 = vector.broadcast %get3A_147 : vector<1x256xf32> to vector<896x256xf32>
    %add3A_149 = arith.addf %add3A_148, %dot_general3A_144 : vector<896x256xf32>
    %slice3A_150 = vector.extract_strided_slice %add3A_149 {offsets = [0, 0], sizes = [896, 128], strides = [1, 1]} : vector<896x256xf32> to vector<896x128xf32>
    %max3A_151 = arith.maximumf %min3A_136, %slice3A_150 : vector<896x128xf32>
    %min3A_152 = arith.minimumf %min3A_136, %slice3A_150 : vector<896x128xf32>
    %max3A_153 = arith.maximumf %min3A_138, %max3A_151 : vector<896x128xf32>
    %min3A_154 = arith.minimumf %min3A_138, %max3A_151 : vector<896x128xf32>
    %min3A_155 = arith.minimumf %min3A_139, %max3A_153 : vector<896x128xf32>
    %slice3A_156 = vector.extract_strided_slice %add3A_149 {offsets = [0, 128], sizes = [896, 128], strides = [1, 1]} : vector<896x256xf32> to vector<896x128xf32>
    %max3A_157 = arith.maximumf %min3A_152, %slice3A_156 : vector<896x128xf32>
    %min3A_158 = arith.minimumf %min3A_152, %slice3A_156 : vector<896x128xf32>
    %max3A_159 = arith.maximumf %min3A_154, %max3A_157 : vector<896x128xf32>
    %min3A_160 = arith.minimumf %min3A_154, %max3A_157 : vector<896x128xf32>
    %min3A_161 = arith.minimumf %min3A_155, %max3A_159 : vector<896x128xf32>
    %get3A_162 = arith.constant 1792 : index
    %get3A_163 = arith.constant 0 : index
    %get3A_164 = vector.load %arg3[%get3A_162, %get3A_163] : memref<2048x1536xbf16, #tpu.memory_space<vmem>>, vector<256x1536xbf16>
    %dot_general3A_165 = arith.constant dense<0.000000e+00> : vector<896x256xf32>
    %dot_general3A_166 = tpu.matmul %get3A_3, %get3A_164, %dot_general3A_165 {dimension_numbers = #tpu.dot_dimension_numbers<[1], [1], [0], [0], [0, 0, 1, 0], [], []>, transpose_lhs_hint = false} : vector<896x1536xbf16>, vector<256x1536xbf16>, vector<896x256xf32> -> vector<896x256xf32>
    %get3A_167 = arith.constant 0 : index
    %get3A_168 = arith.constant 1792 : index
    %get3A_169 = vector.load %arg4[%get3A_167, %get3A_168] : memref<1x2048xf32, #tpu.memory_space<vmem>>, vector<1x256xf32>
    %add3A_170 = vector.broadcast %get3A_169 : vector<1x256xf32> to vector<896x256xf32>
    %add3A_171 = arith.addf %add3A_170, %dot_general3A_166 : vector<896x256xf32>
    %slice3A_172 = vector.extract_strided_slice %add3A_171 {offsets = [0, 0], sizes = [896, 128], strides = [1, 1]} : vector<896x256xf32> to vector<896x128xf32>
    %max3A_173 = arith.maximumf %min3A_158, %slice3A_172 : vector<896x128xf32>
    %min3A_174 = arith.minimumf %min3A_158, %slice3A_172 : vector<896x128xf32>
    %max3A_175 = arith.maximumf %min3A_160, %max3A_173 : vector<896x128xf32>
    %min3A_176 = arith.minimumf %min3A_160, %max3A_173 : vector<896x128xf32>
    %min3A_177 = arith.minimumf %min3A_161, %max3A_175 : vector<896x128xf32>
    %slice3A_178 = vector.extract_strided_slice %add3A_171 {offsets = [0, 128], sizes = [896, 128], strides = [1, 1]} : vector<896x256xf32> to vector<896x128xf32>
    %max3A_179 = arith.maximumf %min3A_174, %slice3A_178 : vector<896x128xf32>
    %min3A_180 = arith.minimumf %min3A_174, %slice3A_178 : vector<896x128xf32>
    %max3A_181 = arith.maximumf %min3A_176, %max3A_179 : vector<896x128xf32>
    %min3A_182 = arith.minimumf %min3A_176, %max3A_179 : vector<896x128xf32>
    %min3A_183 = arith.minimumf %min3A_177, %max3A_181 : vector<896x128xf32>
    %swap3A = arith.constant 0 : index
    %swap3A_184 = arith.constant 0 : index
    %swap3A_185 = vector.load %arg6[%swap3A, %swap3A_184] : memref<896x128xf32, #tpu.memory_space<vmem>>, vector<896x128xf32>
    tpu.vector_store %arg6[%swap3A, %swap3A_184], %min3A_180 {strides = array<i32>} : memref<896x128xf32, #tpu.memory_space<vmem>>, vector<896x128xf32>,
    %swap3A_186 = arith.constant 0 : index
    %swap3A_187 = arith.constant 0 : index
    %swap3A_188 = vector.load %arg7[%swap3A_186, %swap3A_187] : memref<896x128xf32, #tpu.memory_space<vmem>>, vector<896x128xf32>
    tpu.vector_store %arg7[%swap3A_186, %swap3A_187], %min3A_182 {strides = array<i32>} : memref<896x128xf32, #tpu.memory_space<vmem>>, vector<896x128xf32>,
    %swap3A_189 = arith.constant 0 : index
    %swap3A_190 = arith.constant 0 : index
    %swap3A_191 = vector.load %arg8[%swap3A_189, %swap3A_190] : memref<896x128xf32, #tpu.memory_space<vmem>>, vector<896x128xf32>
    tpu.vector_store %arg8[%swap3A_189, %swap3A_190], %min3A_183 {strides = array<i32>} : memref<896x128xf32, #tpu.memory_space<vmem>>, vector<896x128xf32>,
    %eq3A_192 = arith.constant 3 : i32
    %eq3A_193 = arith.cmpi eq, %arg1, %eq3A_192 : i32
    %convert_element_type3A_194 = arith.extui %eq3A_193 : i1 to i32
    %cond3A_195 = arith.constant 0 : i32
    %cond3A_196 = arith.cmpi ne, %convert_element_type3A_194, %cond3A_195 : i32
    scf.if %cond3A_196 {
      %concatenate3A = tpu.concatenate %min3A_180, %min3A_182, %min3A_183 in 1 : vector<896x128xf32>, vector<896x128xf32>, vector<896x128xf32> -> vector<896x384xf32>
      %swap3A_197 = arith.constant 0 : index
      %swap3A_198 = arith.constant 0 : index
      %swap3A_199 = vector.load %arg5[%swap3A_197, %swap3A_198] : memref<896x384xf32, #tpu.memory_space<vmem>>, vector<896x384xf32>
      tpu.vector_store %arg5[%swap3A_197, %swap3A_198], %concatenate3A {strides = array<i32>} : memref<896x384xf32, #tpu.memory_space<vmem>>, vector<896x384xf32>,
    } else {
    }
    return
  }
  func.func @transform_0(%arg0: i32, %arg1: i32) -> (i32, i32) {
    %c0_i32 = arith.constant 0 : i32
    %c0_i32_0 = arith.constant 0 : i32
    return %arg0, %c0_i32 : i32, i32
  }
  func.func @transform_1(%arg0: i32, %arg1: i32) -> (i32, i32) {
    %c0_i32 = arith.constant 0 : i32
    %c0_i32_0 = arith.constant 0 : i32
    return %arg1, %c0_i32 : i32, i32
  }
  func.func @transform_2(%arg0: i32, %arg1: i32) -> (i32, i32) {
    %c0_i32 = arith.constant 0 : i32
    %c0_i32_0 = arith.constant 0 : i32
    return %c0_i32, %arg1 : i32, i32
  }
  func.func @transform_3(%arg0: i32, %arg1: i32) -> (i32, i32) {
    %c0_i32 = arith.constant 0 : i32
    %c0_i32_0 = arith.constant 0 : i32
    return %arg0, %c0_i32 : i32, i32
  }
}

module attributes {stable_mosaic.version = 14 : i64} {
  func.func @_y2_body(%arg0: i32, %arg1: memref<2048x1536xbf16, #tpu.memory_space<vmem>>, %arg2: memref<1x2048xf32, #tpu.memory_space<vmem>>) attributes {dimension_semantics = [#tpu.dimension_semantics<arbitrary>], iteration_bounds = array<i64: 4>, scalar_prefetch = 0 : i64, scratch_operands = 0 : i64, tpu.core_type = #tpu.core_type<tc>, window_params = [{transform_indices = @transform_0, window_bounds = array<i64: 2048, 1536>}, {transform_indices = @transform_1, window_bounds = array<i64: 1, 2048>}]} {
    %get3A = arith.constant 0 : index
    %get3A_0 = arith.constant 0 : index
    %get3A_1 = vector.load %arg1[%get3A, %get3A_0] : memref<2048x1536xbf16, #tpu.memory_space<vmem>>, vector<2048x1536xbf16>
    %broadcast_in_dim3A = arith.constant 1.000000e+00 : bf16
    %broadcast_in_dim3A_2 = vector.broadcast %broadcast_in_dim3A : bf16 to vector<1x1536xbf16>
    %mul3A = arith.mulf %get3A_1, %get3A_1 : vector<2048x1536xbf16>
    %dot_general3A = arith.constant dense<0.000000e+00> : vector<1x2048xf32>
    %dot_general3A_3 = tpu.matmul %broadcast_in_dim3A_2, %mul3A, %dot_general3A {dimension_numbers = #tpu.dot_dimension_numbers<[1], [1], [0], [0], [0, 0, 1, 0], [], []>, transpose_lhs_hint = false} : vector<1x1536xbf16>, vector<2048x1536xbf16>, vector<1x2048xf32> -> vector<1x2048xf32>
    %swap3A = arith.constant 0 : index
    %swap3A_4 = arith.constant 0 : index
    %swap3A_5 = vector.load %arg2[%swap3A, %swap3A_4] : memref<1x2048xf32, #tpu.memory_space<vmem>>, vector<1x2048xf32>
    tpu.vector_store %arg2[%swap3A, %swap3A_4], %dot_general3A_3 {strides = array<i32>} : memref<1x2048xf32, #tpu.memory_space<vmem>>, vector<1x2048xf32>,
    return
  }
  func.func @transform_0(%arg0: i32) -> (i32, i32) {
    %c0_i32 = arith.constant 0 : i32
    %c0_i32_0 = arith.constant 0 : i32
    return %arg0, %c0_i32 : i32, i32
  }
  func.func @transform_1(%arg0: i32) -> (i32, i32) {
    %c0_i32 = arith.constant 0 : i32
    %c0_i32_0 = arith.constant 0 : i32
    return %c0_i32, %arg0 : i32, i32
  }
}

module attributes {stable_mosaic.version = 14 : i64} {
  func.func @_fix_body(%arg0: i32, %arg1: memref<448x64xf32, #tpu.memory_space<vmem>>, %arg2: memref<448x1536xf32, #tpu.memory_space<vmem>>, %arg3: memref<448x9xf32, #tpu.memory_space<vmem>>) attributes {dimension_semantics = [#tpu.dimension_semantics<arbitrary>], iteration_bounds = array<i64: 14>, scalar_prefetch = 0 : i64, scratch_operands = 0 : i64, tpu.core_type = #tpu.core_type<tc>, window_params = [{transform_indices = @transform_0, window_bounds = array<i64: 448, 64>}, {transform_indices = @transform_1, window_bounds = array<i64: 448, 1536>}, {transform_indices = @transform_2, window_bounds = array<i64: 448, 9>}]} {
    %get3A = arith.constant 0 : index
    %get3A_0 = arith.constant 0 : index
    %get3A_1 = vector.load %arg1[%get3A, %get3A_0] : memref<448x64xf32, #tpu.memory_space<vmem>>, vector<448x64xf32>
    %iota3A = tpu.iota {dimensions = array<i32: 1>} : vector<448x16xi32>
    %broadcast_in_dim3A = arith.constant 0x7F800000 : f32
    %broadcast_in_dim3A_2 = vector.broadcast %broadcast_in_dim3A : f32 to vector<448x16xf32>
    %reduce_min3A = arith.constant dense<0x7F800000> : vector<448xf32>
    %reduce_min3A_3 = vector.multi_reduction <minimumf>, %get3A_1, %reduce_min3A [1] : vector<448x64xf32> to vector<448xf32>
    %broadcast_in_dim3A_4 = vector.shape_cast %reduce_min3A_3 : vector<448xf32> to vector<448x1xf32>
    %eq3A = arith.constant 0 : i32
    %eq3A_5 = vector.broadcast %eq3A : i32 to vector<448x16xi32>
    %eq3A_6 = arith.cmpi eq, %iota3A, %eq3A_5 : vector<448x16xi32>
    %broadcast_in_dim3A_7 = vector.shape_cast %broadcast_in_dim3A_4 : vector<448x1xf32> to vector<448x1xf32>
    %broadcast_in_dim3A_8 = vector.broadcast %broadcast_in_dim3A_7 : vector<448x1xf32> to vector<448x16xf32>
    %select_n3A = arith.select %eq3A_6, %broadcast_in_dim3A_8, %broadcast_in_dim3A_2 : vector<448x16xi1>, vector<448x16xf32>
    %eq3A_9 = vector.broadcast %broadcast_in_dim3A_4 : vector<448x1xf32> to vector<448x64xf32>
    %eq3A_10 = arith.cmpf oeq, %get3A_1, %eq3A_9 : vector<448x64xf32>
    %jit3A = arith.constant 0x7F800000 : f32
    %broadcast_in_dim3A_11 = vector.broadcast %jit3A : f32 to vector<448x64xf32>
    %select_n3A_12 = arith.select %eq3A_10, %broadcast_in_dim3A_11, %get3A_1 : vector<448x64xi1>, vector<448x64xf32>
    %reduce_min3A_13 = arith.constant dense<0x7F800000> : vector<448xf32>
    %reduce_min3A_14 = vector.multi_reduction <minimumf>, %select_n3A_12, %reduce_min3A_13 [1] : vector<448x64xf32> to vector<448xf32>
    %broadcast_in_dim3A_15 = vector.shape_cast %reduce_min3A_14 : vector<448xf32> to vector<448x1xf32>
    %eq3A_16 = arith.constant 1 : i32
    %eq3A_17 = vector.broadcast %eq3A_16 : i32 to vector<448x16xi32>
    %eq3A_18 = arith.cmpi eq, %iota3A, %eq3A_17 : vector<448x16xi32>
    %broadcast_in_dim3A_19 = vector.shape_cast %broadcast_in_dim3A_15 : vector<448x1xf32> to vector<448x1xf32>
    %broadcast_in_dim3A_20 = vector.broadcast %broadcast_in_dim3A_19 : vector<448x1xf32> to vector<448x16xf32>
    %select_n3A_21 = arith.select %eq3A_18, %broadcast_in_dim3A_20, %select_n3A : vector<448x16xi1>, vector<448x16xf32>
    %eq3A_22 = vector.broadcast %broadcast_in_dim3A_15 : vector<448x1xf32> to vector<448x64xf32>
    %eq3A_23 = arith.cmpf oeq, %select_n3A_12, %eq3A_22 : vector<448x64xf32>
    %jit3A_24 = arith.constant 0x7F800000 : f32
    %broadcast_in_dim3A_25 = vector.broadcast %jit3A_24 : f32 to vector<448x64xf32>
    %select_n3A_26 = arith.select %eq3A_23, %broadcast_in_dim3A_25, %select_n3A_12 : vector<448x64xi1>, vector<448x64xf32>
    %reduce_min3A_27 = arith.constant dense<0x7F800000> : vector<448xf32>
    %reduce_min3A_28 = vector.multi_reduction <minimumf>, %select_n3A_26, %reduce_min3A_27 [1] : vector<448x64xf32> to vector<448xf32>
    %broadcast_in_dim3A_29 = vector.shape_cast %reduce_min3A_28 : vector<448xf32> to vector<448x1xf32>
    %eq3A_30 = arith.constant 2 : i32
    %eq3A_31 = vector.broadcast %eq3A_30 : i32 to vector<448x16xi32>
    %eq3A_32 = arith.cmpi eq, %iota3A, %eq3A_31 : vector<448x16xi32>
    %broadcast_in_dim3A_33 = vector.shape_cast %broadcast_in_dim3A_29 : vector<448x1xf32> to vector<448x1xf32>
    %broadcast_in_dim3A_34 = vector.broadcast %broadcast_in_dim3A_33 : vector<448x1xf32> to vector<448x16xf32>
    %select_n3A_35 = arith.select %eq3A_32, %broadcast_in_dim3A_34, %select_n3A_21 : vector<448x16xi1>, vector<448x16xf32>
    %eq3A_36 = vector.broadcast %broadcast_in_dim3A_29 : vector<448x1xf32> to vector<448x64xf32>
    %eq3A_37 = arith.cmpf oeq, %select_n3A_26, %eq3A_36 : vector<448x64xf32>
    %jit3A_38 = arith.constant 0x7F800000 : f32
    %broadcast_in_dim3A_39 = vector.broadcast %jit3A_38 : f32 to vector<448x64xf32>
    %select_n3A_40 = arith.select %eq3A_37, %broadcast_in_dim3A_39, %select_n3A_26 : vector<448x64xi1>, vector<448x64xf32>
    %reduce_min3A_41 = arith.constant dense<0x7F800000> : vector<448xf32>
    %reduce_min3A_42 = vector.multi_reduction <minimumf>, %select_n3A_40, %reduce_min3A_41 [1] : vector<448x64xf32> to vector<448xf32>
    %broadcast_in_dim3A_43 = vector.shape_cast %reduce_min3A_42 : vector<448xf32> to vector<448x1xf32>
    %eq3A_44 = arith.constant 3 : i32
    %eq3A_45 = vector.broadcast %eq3A_44 : i32 to vector<448x16xi32>
    %eq3A_46 = arith.cmpi eq, %iota3A, %eq3A_45 : vector<448x16xi32>
    %broadcast_in_dim3A_47 = vector.shape_cast %broadcast_in_dim3A_43 : vector<448x1xf32> to vector<448x1xf32>
    %broadcast_in_dim3A_48 = vector.broadcast %broadcast_in_dim3A_47 : vector<448x1xf32> to vector<448x16xf32>
    %select_n3A_49 = arith.select %eq3A_46, %broadcast_in_dim3A_48, %select_n3A_35 : vector<448x16xi1>, vector<448x16xf32>
    %eq3A_50 = vector.broadcast %broadcast_in_dim3A_43 : vector<448x1xf32> to vector<448x64xf32>
    %eq3A_51 = arith.cmpf oeq, %select_n3A_40, %eq3A_50 : vector<448x64xf32>
    %jit3A_52 = arith.constant 0x7F800000 : f32
    %broadcast_in_dim3A_53 = vector.broadcast %jit3A_52 : f32 to vector<448x64xf32>
    %select_n3A_54 = arith.select %eq3A_51, %broadcast_in_dim3A_53, %select_n3A_40 : vector<448x64xi1>, vector<448x64xf32>
    %reduce_min3A_55 = arith.constant dense<0x7F800000> : vector<448xf32>
    %reduce_min3A_56 = vector.multi_reduction <minimumf>, %select_n3A_54, %reduce_min3A_55 [1] : vector<448x64xf32> to vector<448xf32>
    %broadcast_in_dim3A_57 = vector.shape_cast %reduce_min3A_56 : vector<448xf32> to vector<448x1xf32>
    %eq3A_58 = arith.constant 4 : i32
    %eq3A_59 = vector.broadcast %eq3A_58 : i32 to vector<448x16xi32>
    %eq3A_60 = arith.cmpi eq, %iota3A, %eq3A_59 : vector<448x16xi32>
    %broadcast_in_dim3A_61 = vector.shape_cast %broadcast_in_dim3A_57 : vector<448x1xf32> to vector<448x1xf32>
    %broadcast_in_dim3A_62 = vector.broadcast %broadcast_in_dim3A_61 : vector<448x1xf32> to vector<448x16xf32>
    %select_n3A_63 = arith.select %eq3A_60, %broadcast_in_dim3A_62, %select_n3A_49 : vector<448x16xi1>, vector<448x16xf32>
    %eq3A_64 = vector.broadcast %broadcast_in_dim3A_57 : vector<448x1xf32> to vector<448x64xf32>
    %eq3A_65 = arith.cmpf oeq, %select_n3A_54, %eq3A_64 : vector<448x64xf32>
    %jit3A_66 = arith.constant 0x7F800000 : f32
    %broadcast_in_dim3A_67 = vector.broadcast %jit3A_66 : f32 to vector<448x64xf32>
    %select_n3A_68 = arith.select %eq3A_65, %broadcast_in_dim3A_67, %select_n3A_54 : vector<448x64xi1>, vector<448x64xf32>
    %reduce_min3A_69 = arith.constant dense<0x7F800000> : vector<448xf32>
    %reduce_min3A_70 = vector.multi_reduction <minimumf>, %select_n3A_68, %reduce_min3A_69 [1] : vector<448x64xf32> to vector<448xf32>
    %broadcast_in_dim3A_71 = vector.shape_cast %reduce_min3A_70 : vector<448xf32> to vector<448x1xf32>
    %eq3A_72 = arith.constant 5 : i32
    %eq3A_73 = vector.broadcast %eq3A_72 : i32 to vector<448x16xi32>
    %eq3A_74 = arith.cmpi eq, %iota3A, %eq3A_73 : vector<448x16xi32>
    %broadcast_in_dim3A_75 = vector.shape_cast %broadcast_in_dim3A_71 : vector<448x1xf32> to vector<448x1xf32>
    %broadcast_in_dim3A_76 = vector.broadcast %broadcast_in_dim3A_75 : vector<448x1xf32> to vector<448x16xf32>
    %select_n3A_77 = arith.select %eq3A_74, %broadcast_in_dim3A_76, %select_n3A_63 : vector<448x16xi1>, vector<448x16xf32>
    %eq3A_78 = vector.broadcast %broadcast_in_dim3A_71 : vector<448x1xf32> to vector<448x64xf32>
    %eq3A_79 = arith.cmpf oeq, %select_n3A_68, %eq3A_78 : vector<448x64xf32>
    %jit3A_80 = arith.constant 0x7F800000 : f32
    %broadcast_in_dim3A_81 = vector.broadcast %jit3A_80 : f32 to vector<448x64xf32>
    %select_n3A_82 = arith.select %eq3A_79, %broadcast_in_dim3A_81, %select_n3A_68 : vector<448x64xi1>, vector<448x64xf32>
    %reduce_min3A_83 = arith.constant dense<0x7F800000> : vector<448xf32>
    %reduce_min3A_84 = vector.multi_reduction <minimumf>, %select_n3A_82, %reduce_min3A_83 [1] : vector<448x64xf32> to vector<448xf32>
    %broadcast_in_dim3A_85 = vector.shape_cast %reduce_min3A_84 : vector<448xf32> to vector<448x1xf32>
    %eq3A_86 = arith.constant 6 : i32
    %eq3A_87 = vector.broadcast %eq3A_86 : i32 to vector<448x16xi32>
    %eq3A_88 = arith.cmpi eq, %iota3A, %eq3A_87 : vector<448x16xi32>
    %broadcast_in_dim3A_89 = vector.shape_cast %broadcast_in_dim3A_85 : vector<448x1xf32> to vector<448x1xf32>
    %broadcast_in_dim3A_90 = vector.broadcast %broadcast_in_dim3A_89 : vector<448x1xf32> to vector<448x16xf32>
    %select_n3A_91 = arith.select %eq3A_88, %broadcast_in_dim3A_90, %select_n3A_77 : vector<448x16xi1>, vector<448x16xf32>
    %eq3A_92 = vector.broadcast %broadcast_in_dim3A_85 : vector<448x1xf32> to vector<448x64xf32>
    %eq3A_93 = arith.cmpf oeq, %select_n3A_82, %eq3A_92 : vector<448x64xf32>
    %jit3A_94 = arith.constant 0x7F800000 : f32
    %broadcast_in_dim3A_95 = vector.broadcast %jit3A_94 : f32 to vector<448x64xf32>
    %select_n3A_96 = arith.select %eq3A_93, %broadcast_in_dim3A_95, %select_n3A_82 : vector<448x64xi1>, vector<448x64xf32>
    %reduce_min3A_97 = arith.constant dense<0x7F800000> : vector<448xf32>
    %reduce_min3A_98 = vector.multi_reduction <minimumf>, %select_n3A_96, %reduce_min3A_97 [1] : vector<448x64xf32> to vector<448xf32>
    %broadcast_in_dim3A_99 = vector.shape_cast %reduce_min3A_98 : vector<448xf32> to vector<448x1xf32>
    %eq3A_100 = arith.constant 7 : i32
    %eq3A_101 = vector.broadcast %eq3A_100 : i32 to vector<448x16xi32>
    %eq3A_102 = arith.cmpi eq, %iota3A, %eq3A_101 : vector<448x16xi32>
    %broadcast_in_dim3A_103 = vector.shape_cast %broadcast_in_dim3A_99 : vector<448x1xf32> to vector<448x1xf32>
    %broadcast_in_dim3A_104 = vector.broadcast %broadcast_in_dim3A_103 : vector<448x1xf32> to vector<448x16xf32>
    %select_n3A_105 = arith.select %eq3A_102, %broadcast_in_dim3A_104, %select_n3A_91 : vector<448x16xi1>, vector<448x16xf32>
    %eq3A_106 = vector.broadcast %broadcast_in_dim3A_99 : vector<448x1xf32> to vector<448x64xf32>
    %eq3A_107 = arith.cmpf oeq, %select_n3A_96, %eq3A_106 : vector<448x64xf32>
    %jit3A_108 = arith.constant 0x7F800000 : f32
    %broadcast_in_dim3A_109 = vector.broadcast %jit3A_108 : f32 to vector<448x64xf32>
    %select_n3A_110 = arith.select %eq3A_107, %broadcast_in_dim3A_109, %select_n3A_96 : vector<448x64xi1>, vector<448x64xf32>
    %reduce_min3A_111 = arith.constant dense<0x7F800000> : vector<448xf32>
    %reduce_min3A_112 = vector.multi_reduction <minimumf>, %select_n3A_110, %reduce_min3A_111 [1] : vector<448x64xf32> to vector<448xf32>
    %broadcast_in_dim3A_113 = vector.shape_cast %reduce_min3A_112 : vector<448xf32> to vector<448x1xf32>
    %eq3A_114 = arith.constant 8 : i32
    %eq3A_115 = vector.broadcast %eq3A_114 : i32 to vector<448x16xi32>
    %eq3A_116 = arith.cmpi eq, %iota3A, %eq3A_115 : vector<448x16xi32>
    %broadcast_in_dim3A_117 = vector.shape_cast %broadcast_in_dim3A_113 : vector<448x1xf32> to vector<448x1xf32>
    %broadcast_in_dim3A_118 = vector.broadcast %broadcast_in_dim3A_117 : vector<448x1xf32> to vector<448x16xf32>
    %select_n3A_119 = arith.select %eq3A_116, %broadcast_in_dim3A_118, %select_n3A_105 : vector<448x16xi1>, vector<448x16xf32>
    %get3A_120 = arith.constant 0 : index
    %get3A_121 = arith.constant 0 : index
    %get3A_122 = vector.load %arg2[%get3A_120, %get3A_121] : memref<448x1536xf32, #tpu.memory_space<vmem>>, vector<448x1536xf32>
    %mul3A = arith.mulf %get3A_122, %get3A_122 : vector<448x1536xf32>
    %reduce_sum3A = arith.constant dense<0.000000e+00> : vector<448xf32>
    %reduce_sum3A_123 = vector.multi_reduction <add>, %mul3A, %reduce_sum3A [1] : vector<448x1536xf32> to vector<448xf32>
    %broadcast_in_dim3A_124 = vector.shape_cast %reduce_sum3A_123 : vector<448xf32> to vector<448x1xf32>
    %slice3A = vector.extract_strided_slice %select_n3A_119 {offsets = [0, 0], sizes = [448, 9], strides = [1, 1]} : vector<448x16xf32> to vector<448x9xf32>
    %add3A = vector.broadcast %broadcast_in_dim3A_124 : vector<448x1xf32> to vector<448x9xf32>
    %add3A_125 = arith.addf %slice3A, %add3A : vector<448x9xf32>
    %max3A = arith.constant 9.99999996E-13 : f32
    %max3A_126 = vector.broadcast %max3A : f32 to vector<448x9xf32>
    %max3A_127 = arith.maximumf %add3A_125, %max3A_126 : vector<448x9xf32>
    %sqrt3A = math.sqrt %max3A_127 : vector<448x9xf32>
    %swap3A = arith.constant 0 : index
    %swap3A_128 = arith.constant 0 : index
    %swap3A_129 = vector.load %arg3[%swap3A, %swap3A_128] : memref<448x9xf32, #tpu.memory_space<vmem>>, vector<448x9xf32>
    tpu.vector_store %arg3[%swap3A, %swap3A_128], %sqrt3A {strides = array<i32>} : memref<448x9xf32, #tpu.memory_space<vmem>>, vector<448x9xf32>,
    return
  }
  func.func @transform_0(%arg0: i32) -> (i32, i32) {
    %c0_i32 = arith.constant 0 : i32
    %c0_i32_0 = arith.constant 0 : i32
    return %arg0, %c0_i32 : i32, i32
  }
  func.func @transform_1(%arg0: i32) -> (i32, i32) {
    %c0_i32 = arith.constant 0 : i32
    %c0_i32_0 = arith.constant 0 : i32
    return %arg0, %c0_i32 : i32, i32
  }
  func.func @transform_2(%arg0: i32) -> (i32, i32) {
    %c0_i32 = arith.constant 0 : i32
    %c0_i32_0 = arith.constant 0 : i32
    return %arg0, %c0_i32 : i32, i32
  }
}

</mosaic_0001>

<sc_bundles>
// kernel: kernel.6.cloned.1.call-start
scs
__scs_entry_jumppad:
0x0: {  	(pc) =	sbr.rel $0x88, $3  }
0x1: {  	(tag) =	ssettag $0x0;
	lr =	simm.s32 $0x1  }
0x2: {  	[smem:$0x3F9F] =	sst lr;
	_ =	strace $0xD0000000  }
0x3: {  	_ = 	snop  }
0x4: {  	_ = 	snop  }
0x5: {  	_ = 	snop  }
0x6: {  	_ = 	snop  }
0x7: {  	_ = 	snop  }
__scs_overlays_trampoline_lowered:
0x8: {  	[smem:$0x3FAE] =	sst s0  }
0x9: {  	[smem:$0x3FAF] =	sst s1  }
0xa: {  	[smem:$0x3FB0] =	sst s2  }
0xb: {  	[smem:$0x3FB1] =	sst s3  }
0xc: {  	[smem:$0x3FB2] =	sst s4  }
0xd: {  	[smem:$0x3FB3] =	sst s5  }
0xe: {  	[smem:$0x3FB4] =	sst s6  }
0xf: {  	[smem:$0x3FB5] =	sst s7  }
0x10: {  	[smem:$0x3FB6] =	sst s8  }
0x11: {  	[smem:$0x3FB7] =	sst s9;
	s0 =	simm.s32 @!p0 $0x0  }
0x12: {  	s1 =	sld [smem:$0x3F9D];
	s0 =	simm.s32 @p0 $0x1  }
0x13: {  	[smem:$0x3FB8] =	sst s0;
	s0 =	simm.s32 @!p1 $0x0  }
0x14: {  	s2 =	sld [smem:$0x3F9C];
	s0 =	simm.s32 @p1 $0x1  }
0x15: {  	[smem:$0x3FB9] =	sst s0;
	s0 =	simm.s32 @!p2 $0x0  }
0x16: {  	s3 =	sld [smem:$0x3FDB];
	s0 =	simm.s32 @p2 $0x1  }
0x17: {  	s4 =	simm.s32 $0x1BF5;
	[smem:$0x3FBB] =	sst s0  }
0x18: {  	s0 =	sld [smem:$0x3F9E];
	_ =	swait.ge [sflag:s4], $0x0  }
0x19: {  	s7 =	sld [smem:$0x3F9F]  }
0x1a: {  	s8 =	sadd.s32 $0xFFFFE003, lr  }
0x1b: {  	s9 =	sadd.s32 $0xFFFFFEF7, lr;
	s5 =	simm.s32 $0xFFFFFFFF;
	p2 =	slt.u32 s8, $0xFFFFF086  }
0x1c: {  	p1 =	slt.u32 s9, $0xF7A;
	s5 =	simm.s32 @!p2 $0x0  }
0x1d: {  	s5 =	simm.s32 @p1 $0x1;
	p0 =	seq.s32 s7, s2  }
0x1e: {  	s7 =	smul.u32 @!p0 $0xF7A, s2;
	p2 =	seq.s32 @!p0 s5, $0x0  }
0x1f: {  	s9 =	smul.u32 $0xF7A, s1;
	s8 =	simm.s32 @!p0 $0x1BF5;
	p2 =	por !p2, p0  }
0x20: {  	[sflag:s8] =	ssyncset.s32 @!p0 $0xFFFFF086;
	s6 =	sadd.s32 @!p0 s3, s7;
	s7 =	simm.s32 @!p0 $0x108  }
0x21: {  	s3 =	sadd.s32 s3, s9;
	s6 =	sadd.s32 @!p0 $0x88, s6;
	s7 =	simm.s32 @p2 $0x1082  }
0x22: {  	[simem:s7], [sflag:s8] =	dma.local @!p0 [hbm:s6], $0xF7A  }
0x23: {  	s9 =	sor.u32 $0xD0000000, s2;
	s6 =	simm.s32 $0x108;
	_ =	swait.ge @!p0 [sflag:s8], $0x0  }
0x24: {  	s3 =	sadd.s32 $0x88, s3;
	s6 =	simm.s32 @!p1 $0x1082;
	[sflag:s4] =	ssyncset.s32 $0xFFFFF086  }
0x25: {  	[simem:s6], [sflag:s4] =	dma.local [hbm:s3], $0xF7A  }
0x26: {  	[smem:$0x3F9F] =	sst s1;
	(tag) =	ssettag s2;
	_ =	strace s9  }
0x27: {  	s1 =	sld [smem:$0x3FAF]  }
0x28: {  	s2 =	sld [smem:$0x3FB0]  }
0x29: {  	s4 =	sld [smem:$0x3FB2]  }
0x2a: {  	p0 =	seq.s32 s5, $0x0;
	s5 =	sld [smem:$0x3FB3]  }
0x2b: {  	s6 =	sld [smem:$0x3FB4]  }
0x2c: {  	s7 =	sld [smem:$0x3FB5]  }
0x2d: {  	s3 =	simm.s32 $0x108;
	s8 =	sld [smem:$0x3FB6]  }
0x2e: {  	s3 =	simm.s32 @!p0 $0x1082;
	s9 =	sld [smem:$0x3FB7]  }
0x2f: {  	lr =	sadd.s32 s0, s3;
	s0 =	sld [smem:$0x3FAE]  }
0x30: {  	s3 =	sld [smem:$0x3FB1]  }
0x31: {  	[smem:$0x3FBA] =	sst s10  }
0x32: {  	s10 =	sld [smem:$0x3FB8];
	_ =	sdelay $0x3  }
0x33: {  	p0 =	seq.s32 s10, $0x1;
	s10 =	sld [smem:$0x3FBA];
	_ =	sdelay $0x3  }
0x34: {  	[smem:$0x3FBA] =	sst s10  }
0x35: {  	s10 =	sld [smem:$0x3FB9];
	_ =	sdelay $0x3  }
0x36: {  	p1 =	seq.s32 s10, $0x1;
	s10 =	sld [smem:$0x3FBA];
	_ =	sdelay $0x3  }
0x37: {  	[smem:$0x3FBA] =	sst s10  }
0x38: {  	s10 =	sld [smem:$0x3FBB]  }
0x39: {  	_ = 	snop;
	(pc) =	sbr.ind lr, $3  }
0x3a: {  	_ = 	snop  }
0x3b: {  	_ = 	snop  }
0x3c: {  	p2 =	seq.s32 s10, $0x1;
	s10 =	sld [smem:$0x3FBA]  }
0x3d: {  	_ =	shalt  }
0x3e: {  	_ =	shalt  }
0x3f: {  	_ =	shalt  }
0x40: {  	_ =	shalt  }
0x41: {  	_ =	shalt  }
0x42: {  	_ =	shalt  }
0x43: {  	_ =	shalt  }
0x44: {  	_ =	shalt  }
0x45: {  	_ =	shalt  }
0x46: {  	_ =	shalt  }
0x47: {  	_ =	shalt  }
0x48: {  	_ =	shalt  }
0x49: {  	_ =	shalt  }
0x4a: {  	_ =	shalt  }
0x4b: {  	_ =	shalt  }
0x4c: {  	_ =	shalt  }
0x4d: {  	_ =	shalt  }
0x4e: {  	_ =	shalt  }
0x4f: {  	_ =	shalt  }
0x50: {  	_ =	shalt  }
0x51: {  	_ =	shalt  }
0x52: {  	_ =	shalt  }
0x53: {  	_ =	shalt  }
0x54: {  	_ =	shalt  }
0x55: {  	_ =	shalt  }
0x56: {  	_ =	shalt  }
0x57: {  	_ =	shalt  }
0x58: {  	_ =	shalt  }
0x59: {  	_ =	shalt  }
0x5a: {  	_ =	shalt  }
0x5b: {  	_ =	shalt  }
0x5c: {  	_ =	shalt  }
0x5d: {  	_ =	shalt  }
0x5e: {  	_ =	shalt  }
0x5f: {  	_ =	shalt  }
0x60: {  	_ =	shalt  }
0x61: {  	_ =	shalt  }
0x62: {  	_ =	shalt  }
0x63: {  	_ =	shalt  }
0x64: {  	_ =	shalt  }
0x65: {  	_ =	shalt  }
0x66: {  	_ =	shalt  }
0x67: {  	_ =	shalt  }
0x68: {  	_ =	shalt  }
0x69: {  	_ =	shalt  }
0x6a: {  	_ =	shalt  }
0x6b: {  	_ =	shalt  }
0x6c: {  	_ =	shalt  }
0x6d: {  	_ =	shalt  }
0x6e: {  	_ =	shalt  }
0x6f: {  	_ =	shalt  }
0x70: {  	_ =	shalt  }
0x71: {  	_ =	shalt  }
0x72: {  	_ =	shalt  }
0x73: {  	_ =	shalt  }
0x74: {  	_ =	shalt  }
0x75: {  	_ =	shalt  }
0x76: {  	_ =	shalt  }
0x77: {  	_ =	shalt  }
0x78: {  	_ =	shalt  }
0x79: {  	_ =	shalt  }
0x7a: {  	_ =	shalt  }
0x7b: {  	_ =	shalt  }
0x7c: {  	_ =	shalt  }
0x7d: {  	_ =	shalt  }
0x7e: {  	_ =	shalt  }
0x7f: {  	_ =	shalt  }
0x80: {  	_ =	shalt  }
0x81: {  	_ =	shalt  }
0x82: {  	_ =	shalt  }
0x83: {  	_ =	shalt  }
0x84: {  	_ =	shalt  }
0x85: {  	_ =	shalt  }
0x86: {  	_ =	shalt  }
0x87: {  	_ =	shalt  }
.Lfunc_end0:
.L_simem_size_0:
called_computation_lowered:
.L_overlay_start_0:
0x88: {  	s2 =	sld [smem:$0x3FD9]  }
0x89: {  	s3 =	sld [smem:$0x3FFE];
	_ =	sdelay $0x1  }
0x8a: {  	s1 =	srdreg.scid  }
0x8b: {  	s0 =	sand.u32 $0x1, s1  }
0x8c: {  	s16 =	sshll.u32 s0, $0xA;
	s2 =	sadd.s32 s3, s2  }
0x8d: {  	s2 =	sadd.s32 s2, s16  }
0x8e: {  	[smem:$0x3FC6] =	sst s2  }
0x8f: {  	_ = 	snop  }
0x90: {  	(tm) =	ssettm $0x1  }
0x91: {  	s17 =	sld [smem:$0x3FFB];
	_ =	sdelay $0x3  }
0x92: {  	_ =	strace s17  }
0x93: {  	s2 =	sld [smem:$0x3FFC];
	_ =	sdelay $0x3  }
0x94: {  	_ =	strace s2  }
0x95: {  	s2 =	sld [smem:$0x3FFD];
	_ =	sdelay $0x3  }
0x96: {  	_ =	strace s2  }
0x97: {  	_ =	strace $0x8FFFFFFF  }
0x98: {  	s18 =	sld [smem:$0x3FDB];
	_ =	sdelay $0x1  }
0x99: {  	s19 =	simm.s32 $_scs_section_size  }
0x9a: {  	s4 =	simm.s32 $_size__tile_overlayer_lowered;
	s5 =	simm.s32 $_tile_overlayer_lowered  }
0x9b: {  	s22 =	simm.s32 $0x1BFF;
	s21 =	sshll.u32 s5, $0x1;
	s2 =	sadd.s32 s19, s18  }
0x9c: {  	s6 =	simm.s32 $0x0;
	s20 =	sshll.u32 s4, $0x1;
	s4 =	sadd.s32 s21, s2  }
0x9d: {  	[timem:s6], [sflag:s22] =	dma.local [hbm:s4], s20  }
0x9e: {  	_ =	swait.ge [sflag:s22], s20  }
0x9f: {  	s3 =	ssub.s32 $0x0, s20;
	[sflag:s22] =	ssyncset.done $0x0  }
0xa0: {  	[sflag:s22] =	ssyncadd.s32 s3;
	_ =	sdelay $0x1  }
0xa1: {  	s23 =	simm.s32 $0x1B8B  }
0xa2: {  	_ =	swait.ge [sflag:s23], $0x1  }
0xa3: {  	[sflag:s23] =	ssyncset.done $0x0  }
0xa4: {  	s25 =	simm.s32 $0x1B8E;
	s24 =	sld [smem:$0x3FFE];
	[sflag:s23] =	ssyncadd.s32 $0xFFFFFFFF  }
0xa5: {  	s26 =	simm.s32 $execute0_lowered;
	[smem:$0x3FD2] =	sst s25  }
0xa6: {  	s4 =	sshll.u32 s26, $0x1;
	_ =	strace $0x80000046;
	[dreg:$0x1] =	wrdreg $0xFFFFFFFF  }
0xa7: {  	s28 =	simm.s32 $_size_execute0_lowered;
	s2 =	sadd.s32 s2, s4;
	[dreg:$0x0] =	wrdreg $0x0  }
0xa8: {  	s4 =	sshll.u32 s28, $0x1;
	[dreg:$0x2] =	wrdreg s2  }
0xa9: {  	[dreg:$0x3] =	wrdreg s4  }
0xaa: {  	[dreg:$0x4] =	wrdreg $0xC0  }
0xab: {  	_ =	task [dreg:s6], $0x5FFFF  }
0xac: {  	[dreg:$0x1] =	wrdreg $0xFFFFFFFF  }
0xad: {  	[dreg:$0x0] =	wrdreg $0x60  }
0xae: {  	[dreg:$0x2] =	wrdreg s24  }
0xaf: {  	[dreg:$0x3] =	wrdreg $0x9  }
0xb0: {  	_ =	task.clear_ibuf [dreg:s6], $0x4FFFF;
	_ =	strace $0x90000046  }
0xb1: {  	s29 =	simm.s32 $0x9;
	_ =	strace $0x80000048  }
0xb2: {  	_ =	swait.ge [sflag:s29], $0x1  }
0xb3: {  	[sflag:s29] =	ssyncadd.s32 $0xFFFFFFFF  }
0xb4: {  	_ =	strace $0x90000048  }
0xb5: {  	_ =	sfence  }
0xb6: {  	s30 =	sld [smem:$0x0];
	_ =	sdelay $0x2  }
0xb7: {  	s31 =	sshll.u32 s1, $0xD;
	s1 =	sshrl.u32 s1, $0x2  }
0xb8: {  	s3 =	sand.u32 $0x4000, s31;
	s1 =	sadd.s32 s1, s30  }
0xb9: {  	s0 =	sor.u32 s3, s0;
	s1 =	sshll.u32 s1, $0x11  }
0xba: {  	s0 =	sor.u32 s1, s0  }
0xbb: {  	s0 =	sadd.s32 $0x8F2B, s0  }
0xbc: {  	[sflag:s0] =	ssyncadd.remote.s32 $0x1  }
0xbd: {  	_ =	sfence.sel $0xFFFF  }
0xbe: {  	[dreg:$0x0] =	wrdreg $0xFFFFFFFF;
	(pc) =	sbr.abs _section_cstart, $3  }
0xbf: {  	[dreg:$0x1] =	wrdreg $0xFFFFFFFF  }
0xc0: {  	_ =	task.clear_ibuf [dreg:s6], $0x2FFFF;
	_ =	strace $0x9FFFFFFF  }
0xc1: {  	(tm) =	ssettm $0x7FFFFFFF  }
tec
execute0_lowered:
.L_overlay_start_1:
0x0: {  	(tag) =	ssettag $0x1  }
0x1: {  	s1 =	srdreg.scid;
	s0 =	stileid.u32  }
0x2: {  	s4 =	rddreg [dreg:$0x0];
	s3 =	sand.u32 $0x1, s1;
	s30 =	sshll.u32 s0, $0x1  }
0x3: {  	s2 =	simm.s32 $0x0;
	s8 =	simm.s32 $0x0;
	s5 =	sor.u32 s3, s30  }
0x4: {  	s1 =	rddreg [dreg:$0x1];
	s3 =	ssub.s32 $0x2, s3;
	s6 =	smul.u32 $0x2580, s5  }
0x5: {  	[smem:$0x7FF] =	sst s2;
	s5 =	smul.u32 $0xC80, s5;
	s7 =	sshrl.u32 s3, $0x1  }
0x6: {  	_ =	strace $0x80000047;
	s31 =	ssub.s32 s3, s7;
	s7 =	simm.s32 $0x12C00  }
0x7: {  	s6 =	sadd.s32 s6, s4;
	s4 =	sadd.s32 s5, s4;
	s5 =	smax.u32 s31, $0x1  }
0x8: {  	s3 =	sadd.s32 $0x400, s6;
	s4 =	sadd.s32 $0x4B400, s4;
	s6 =	simm.s32 $0x1  }
.LBB2_1:
0x9: {  	[tilespmem:s2], [sflag:$0x1] =	stream.linear.gather [hbm4b:s3+s2], $0x12C00, $0x38;
	[tilespmem:$0x19000] =	vst v63  }
0xa: {  	_ =	swait.ge [sflag:s6], $0x12C00  }
0xb: {  	s9 =	simm.s32 $0x12C80;
	[sflag:s6] =	ssyncset.done $0x0  }
0xc: {  	s10 =	simm.s32 $0x0;
	s11 =	simm.s32 $0x0;
	[sflag:s6] =	ssyncadd.s32 $0xFFFED400  }
.LBB2_2:
0xd: {  	s12 =	sshrl.u32 s11, $0x2  }
0xe: {  	s12 =	smul.u32 $0x3000, s12;
	_ =	sdelay $0x1  }
0xf: {  	s15 =	sand.u32 $0x300, s10;
	s14 =	sshra.s32 s12, $0x2  }
0x10: {  	s12 =	sor.u32 s15, s14  }
0x11: {  	v0 =	vld [tilespmem:s12+$0x0]  }
0x12: {  	v1 =	vld [tilespmem:s12+$0x10]  }
0x13: {  	v2 =	vld [tilespmem:s12+$0x20];
	_ =	sdelay $0x1  }
0x14: {  	v3 =	vld [tilespmem:s12+$0x30];
	_ =	sdelay $0x1  }
0x15: {  	v7 =	vld [tilespmem:s12+$0x40];
	v4 =	vmax.f32 v0, $+Inf;
	v5 =	vmax.f32 v0, v1;
	v0 =	vmin.f32 v0, v1  }
0x16: {  	v48 =	vmax.f32 v4, v5;
	v5 =	vmin.f32 v4, v5;
	v6 =	vmax.f32 v0, v2  }
0x17: {  	v8 =	vld [tilespmem:s12+$0x50];
	v0 =	vmin.f32 v0, v2;
	v1 =	vmin.f32 v4, v48;
	v49 =	vmax.f32 v5, v6  }
0x18: {  	v50 =	vmin.f32 v5, v6;
	v52 =	vmax.f32 v0, v3;
	v0 =	vmin.f32 v0, v3  }
0x19: {  	v51 =	vmax.f32 v1, v49;
	v2 =	vmin.f32 v1, v49;
	v53 =	vmax.f32 v50, v52  }
0x1a: {  	v56 =	vld [tilespmem:s12+$0x60];
	v54 =	vmin.f32 v50, v52;
	v57 =	vmax.f32 v0, v7;
	v0 =	vmin.f32 v0, v7  }
0x1b: {  	v1 =	vmin.f32 v1, v51;
	v55 =	vmax.f32 v2, v53;
	v2 =	vmin.f32 v2, v53  }
0x1c: {  	s28 =	sadd.s32 $0x400, s14;
	v61 =	vld [tilespmem:s12+$0x70];
	v58 =	vmax.f32 v54, v57;
	v3 =	vmin.f32 v54, v57;
	v60 =	vmax.f32 v0, v8  }
0x1d: {  	s13 =	sor.u32 s15, s28;
	v0 =	vmin.f32 v0, v8;
	v1 =	vmin.f32 v1, v55;
	v59 =	vmax.f32 v2, v58  }
0x1e: {  	v9 =	vld [tilespmem:s13+$0x0];
	v2 =	vmin.f32 v2, v58;
	v62 =	vmax.f32 v3, v60;
	v3 =	vmin.f32 v3, v60  }
0x1f: {  	v8 =	vmax.f32 v0, v56;
	v0 =	vmin.f32 v0, v56;
	v1 =	vmin.f32 v1, v59  }
0x20: {  	v63 =	vmax.f32 v2, v62;
	v2 =	vmin.f32 v2, v62;
	v12 =	vmax.f32 v3, v8  }
0x21: {  	v14 =	vld [tilespmem:s13+$0x10];
	v3 =	vmin.f32 v3, v8;
	v15 =	vmax.f32 v0, v61;
	v0 =	vmin.f32 v0, v61  }
0x22: {  	v1 =	vmin.f32 v1, v63;
	v13 =	vmax.f32 v2, v12;
	v2 =	vmin.f32 v2, v12  }
0x23: {  	v19 =	vld [tilespmem:s13+$0x20];
	v16 =	vmax.f32 v3, v15;
	v3 =	vmin.f32 v3, v15;
	v18 =	vmax.f32 v0, v9  }
0x24: {  	v0 =	vmin.f32 v0, v9;
	v1 =	vmin.f32 v1, v13;
	v17 =	vmax.f32 v2, v16  }
0x25: {  	v23 =	vld [tilespmem:s13+$0x30];
	v2 =	vmin.f32 v2, v16;
	v20 =	vmax.f32 v3, v18;
	v3 =	vmin.f32 v3, v18  }
0x26: {  	v22 =	vmax.f32 v0, v14;
	v0 =	vmin.f32 v0, v14;
	v1 =	vmin.f32 v1, v17  }
0x27: {  	v21 =	vmax.f32 v2, v20;
	v2 =	vmin.f32 v2, v20;
	v24 =	vmax.f32 v3, v22  }
0x28: {  	v26 =	vld [tilespmem:s13+$0x40];
	v3 =	vmin.f32 v3, v22;
	v27 =	vmax.f32 v0, v19;
	v0 =	vmin.f32 v0, v19  }
0x29: {  	v1 =	vmin.f32 v1, v21;
	v25 =	vmax.f32 v2, v24;
	v2 =	vmin.f32 v2, v24  }
0x2a: {  	v31 =	vld [tilespmem:s13+$0x50];
	v28 =	vmax.f32 v3, v27;
	v3 =	vmin.f32 v3, v27;
	v30 =	vmax.f32 v0, v23  }
0x2b: {  	v0 =	vmin.f32 v0, v23;
	v1 =	vmin.f32 v1, v25;
	v29 =	vmax.f32 v2, v28  }
0x2c: {  	v35 =	vld [tilespmem:s13+$0x60];
	v2 =	vmin.f32 v2, v28;
	v32 =	vmax.f32 v3, v30;
	v3 =	vmin.f32 v3, v30  }
0x2d: {  	v34 =	vmax.f32 v0, v26;
	v0 =	vmin.f32 v0, v26;
	v1 =	vmin.f32 v1, v29  }
0x2e: {  	v33 =	vmax.f32 v2, v32;
	v2 =	vmin.f32 v2, v32;
	v36 =	vmax.f32 v3, v34  }
0x2f: {  	s29 =	sadd.s32 $0x800, s14;
	v38 =	vld [tilespmem:s13+$0x70];
	v3 =	vmin.f32 v3, v34;
	v39 =	vmax.f32 v0, v31;
	v0 =	vmin.f32 v0, v31  }
0x30: {  	s15 =	sor.u32 s15, s29;
	v1 =	vmin.f32 v1, v33;
	v37 =	vmax.f32 v2, v36;
	v2 =	vmin.f32 v2, v36  }
0x31: {  	v43 =	vld [tilespmem:s15+$0x0];
	v40 =	vmax.f32 v3, v39;
	v3 =	vmin.f32 v3, v39;
	v42 =	vmax.f32 v0, v35  }
0x32: {  	v0 =	vmin.f32 v0, v35;
	v1 =	vmin.f32 v1, v37;
	v41 =	vmax.f32 v2, v40  }
0x33: {  	v47 =	vld [tilespmem:s15+$0x10];
	v2 =	vmin.f32 v2, v40;
	v44 =	vmax.f32 v3, v42;
	v3 =	vmin.f32 v3, v42  }
0x34: {  	v46 =	vmax.f32 v0, v38;
	v0 =	vmin.f32 v0, v38;
	v1 =	vmin.f32 v1, v41  }
0x35: {  	v45 =	vmax.f32 v2, v44;
	v2 =	vmin.f32 v2, v44;
	v48 =	vmax.f32 v3, v46  }
0x36: {  	v50 =	vld [tilespmem:s15+$0x20];
	v3 =	vmin.f32 v3, v46;
	v51 =	vmax.f32 v0, v43;
	v0 =	vmin.f32 v0, v43  }
0x37: {  	v1 =	vmin.f32 v1, v45;
	v49 =	vmax.f32 v2, v48;
	v2 =	vmin.f32 v2, v48  }
0x38: {  	v55 =	vld [tilespmem:s15+$0x30];
	v52 =	vmax.f32 v3, v51;
	v3 =	vmin.f32 v3, v51;
	v54 =	vmax.f32 v0, v47  }
0x39: {  	v0 =	vmin.f32 v0, v47;
	v1 =	vmin.f32 v1, v49;
	v53 =	vmax.f32 v2, v52  }
0x3a: {  	v59 =	vld [tilespmem:s15+$0x40];
	v2 =	vmin.f32 v2, v52;
	v56 =	vmax.f32 v3, v54;
	v3 =	vmin.f32 v3, v54  }
0x3b: {  	v58 =	vmax.f32 v0, v50;
	v0 =	vmin.f32 v0, v50;
	v1 =	vmin.f32 v1, v53  }
0x3c: {  	v57 =	vmax.f32 v2, v56;
	v2 =	vmin.f32 v2, v56;
	v60 =	vmax.f32 v3, v58  }
0x3d: {  	v62 =	vld [tilespmem:s15+$0x50];
	v3 =	vmin.f32 v3, v58;
	v63 =	vmax.f32 v0, v55;
	v0 =	vmin.f32 v0, v55  }
0x3e: {  	v1 =	vmin.f32 v1, v57;
	v61 =	vmax.f32 v2, v60;
	v2 =	vmin.f32 v2, v60  }
0x3f: {  	v12 =	vld [tilespmem:s15+$0x60];
	v8 =	vmax.f32 v3, v63;
	v3 =	vmin.f32 v3, v63;
	v11 =	vmax.f32 v0, v59  }
0x40: {  	v0 =	vmin.f32 v0, v59;
	v1 =	vmin.f32 v1, v61;
	v10 =	vmax.f32 v2, v8  }
0x41: {  	v16 =	vld [tilespmem:s15+$0x70];
	v2 =	vmin.f32 v2, v8;
	v13 =	vmax.f32 v3, v11;
	v3 =	vmin.f32 v3, v11  }
0x42: {  	v15 =	vmax.f32 v0, v62;
	v0 =	vmin.f32 v0, v62;
	v1 =	vmin.f32 v1, v10  }
0x43: {  	v14 =	vmax.f32 v2, v13;
	v2 =	vmin.f32 v2, v13;
	v17 =	vmax.f32 v3, v15  }
0x44: {  	v3 =	vmin.f32 v3, v15;
	v19 =	vmax.f32 v0, v12;
	v0 =	vmin.f32 v0, v12  }
0x45: {  	v1 =	vmin.f32 v1, v14;
	v18 =	vmax.f32 v2, v17;
	v2 =	vmin.f32 v2, v17  }
0x46: {  	v20 =	vmax.f32 v3, v19;
	v3 =	vmin.f32 v3, v19;
	v22 =	vmax.f32 v0, v16  }
0x47: {  	v0 =	vmin.f32 v0, v16;
	v1 =	vmin.f32 v1, v18;
	v21 =	vmax.f32 v2, v20  }
0x48: {  	v2 =	vmin.f32 v2, v20;
	v23 =	vmax.f32 v3, v22;
	v3 =	vmin.f32 v3, v22;
	[tilespmem:s9+$0xFFFFFF80] =	vst v0  }
0x49: {  	s30 =	sadd.s32 $0x80, s10;
	v24 =	vmin.f32 v1, v21;
	v25 =	vmax.f32 v2, v23;
	v2 =	vmin.f32 v2, v23;
	[tilespmem:s9+$0xFFFFFF90] =	vst v3  }
0x4a: {  	s15 =	sand.u32 $0x380, s30;
	v0 =	vmin.f32 v24, v25;
	[tilespmem:s9+$0xFFFFFFA0] =	vst v2  }
0x4b: {  	s14 =	sor.u32 s15, s14;
	[tilespmem:s9+$0xFFFFFFB0] =	vst v0  }
0x4c: {  	v0 =	vld [tilespmem:s14+$0x0]  }
0x4d: {  	v26 =	vld [tilespmem:s14+$0x10]  }
0x4e: {  	v2 =	vld [tilespmem:s14+$0x20];
	_ =	sdelay $0x1  }
0x4f: {  	v3 =	vld [tilespmem:s14+$0x30];
	_ =	sdelay $0x1  }
0x50: {  	v31 =	vld [tilespmem:s14+$0x40];
	v27 =	vmax.f32 v0, $+Inf;
	v28 =	vmax.f32 v0, v26;
	v0 =	vmin.f32 v0, v26  }
0x51: {  	v29 =	vmax.f32 v27, v28;
	v5 =	vmin.f32 v27, v28;
	v30 =	vmax.f32 v0, v2  }
0x52: {  	v36 =	vld [tilespmem:s14+$0x50];
	v0 =	vmin.f32 v0, v2;
	v1 =	vmin.f32 v27, v29;
	v32 =	vmax.f32 v5, v30  }
0x53: {  	v33 =	vmin.f32 v5, v30;
	v35 =	vmax.f32 v0, v3;
	v0 =	vmin.f32 v0, v3  }
0x54: {  	v34 =	vmax.f32 v1, v32;
	v2 =	vmin.f32 v1, v32;
	v37 =	vmax.f32 v33, v35  }
0x55: {  	v40 =	vld [tilespmem:s14+$0x60];
	v38 =	vmin.f32 v33, v35;
	v41 =	vmax.f32 v0, v31;
	v0 =	vmin.f32 v0, v31  }
0x56: {  	v1 =	vmin.f32 v1, v34;
	v39 =	vmax.f32 v2, v37;
	v2 =	vmin.f32 v2, v37  }
0x57: {  	v45 =	vld [tilespmem:s14+$0x70];
	v42 =	vmax.f32 v38, v41;
	v3 =	vmin.f32 v38, v41;
	v44 =	vmax.f32 v0, v36  }
0x58: {  	s12 =	sor.u32 s15, s28;
	v0 =	vmin.f32 v0, v36;
	v1 =	vmin.f32 v1, v39;
	v43 =	vmax.f32 v2, v42  }
0x59: {  	v48 =	vld [tilespmem:s12+$0x0];
	v2 =	vmin.f32 v2, v42;
	v46 =	vmax.f32 v3, v44;
	v3 =	vmin.f32 v3, v44  }
0x5a: {  	v8 =	vmax.f32 v0, v40;
	v0 =	vmin.f32 v0, v40;
	v1 =	vmin.f32 v1, v43  }
0x5b: {  	v47 =	vmax.f32 v2, v46;
	v2 =	vmin.f32 v2, v46;
	v49 =	vmax.f32 v3, v8  }
0x5c: {  	v51 =	vld [tilespmem:s12+$0x10];
	v3 =	vmin.f32 v3, v8;
	v52 =	vmax.f32 v0, v45;
	v0 =	vmin.f32 v0, v45  }
0x5d: {  	v1 =	vmin.f32 v1, v47;
	v50 =	vmax.f32 v2, v49;
	v2 =	vmin.f32 v2, v49  }
0x5e: {  	v56 =	vld [tilespmem:s12+$0x20];
	v53 =	vmax.f32 v3, v52;
	v3 =	vmin.f32 v3, v52;
	v55 =	vmax.f32 v0, v48  }
0x5f: {  	v0 =	vmin.f32 v0, v48;
	v1 =	vmin.f32 v1, v50;
	v54 =	vmax.f32 v2, v53  }
0x60: {  	v60 =	vld [tilespmem:s12+$0x30];
	v2 =	vmin.f32 v2, v53;
	v57 =	vmax.f32 v3, v55;
	v3 =	vmin.f32 v3, v55  }
0x61: {  	v59 =	vmax.f32 v0, v51;
	v0 =	vmin.f32 v0, v51;
	v1 =	vmin.f32 v1, v54  }
0x62: {  	v58 =	vmax.f32 v2, v57;
	v2 =	vmin.f32 v2, v57;
	v61 =	vmax.f32 v3, v59  }
0x63: {  	v63 =	vld [tilespmem:s12+$0x40];
	v3 =	vmin.f32 v3, v59;
	v10 =	vmax.f32 v0, v56;
	v0 =	vmin.f32 v0, v56  }
0x64: {  	v1 =	vmin.f32 v1, v58;
	v62 =	vmax.f32 v2, v61;
	v2 =	vmin.f32 v2, v61  }
0x65: {  	v14 =	vld [tilespmem:s12+$0x50];
	v11 =	vmax.f32 v3, v10;
	v3 =	vmin.f32 v3, v10;
	v13 =	vmax.f32 v0, v60  }
0x66: {  	v0 =	vmin.f32 v0, v60;
	v1 =	vmin.f32 v1, v62;
	v12 =	vmax.f32 v2, v11  }
0x67: {  	v18 =	vld [tilespmem:s12+$0x60];
	v2 =	vmin.f32 v2, v11;
	v15 =	vmax.f32 v3, v13;
	v3 =	vmin.f32 v3, v13  }
0x68: {  	v17 =	vmax.f32 v0, v63;
	v0 =	vmin.f32 v0, v63;
	v1 =	vmin.f32 v1, v12  }
0x69: {  	v16 =	vmax.f32 v2, v15;
	v2 =	vmin.f32 v2, v15;
	v19 =	vmax.f32 v3, v17  }
0x6a: {  	v21 =	vld [tilespmem:s12+$0x70];
	v3 =	vmin.f32 v3, v17;
	v22 =	vmax.f32 v0, v14;
	v0 =	vmin.f32 v0, v14  }
0x6b: {  	s31 =	sor.u32 s15, s29;
	v1 =	vmin.f32 v1, v16;
	v20 =	vmax.f32 v2, v19;
	v2 =	vmin.f32 v2, v19  }
0x6c: {  	v26 =	vld [tilespmem:s31+$0x0];
	v23 =	vmax.f32 v3, v22;
	v3 =	vmin.f32 v3, v22;
	v25 =	vmax.f32 v0, v18  }
0x6d: {  	v0 =	vmin.f32 v0, v18;
	v1 =	vmin.f32 v1, v20;
	v24 =	vmax.f32 v2, v23  }
0x6e: {  	v30 =	vld [tilespmem:s31+$0x10];
	v2 =	vmin.f32 v2, v23;
	v27 =	vmax.f32 v3, v25;
	v3 =	vmin.f32 v3, v25  }
0x6f: {  	v29 =	vmax.f32 v0, v21;
	v0 =	vmin.f32 v0, v21;
	v1 =	vmin.f32 v1, v24  }
0x70: {  	v28 =	vmax.f32 v2, v27;
	v2 =	vmin.f32 v2, v27;
	v31 =	vmax.f32 v3, v29  }
0x71: {  	v33 =	vld [tilespmem:s31+$0x20];
	v3 =	vmin.f32 v3, v29;
	v34 =	vmax.f32 v0, v26;
	v0 =	vmin.f32 v0, v26  }
0x72: {  	v1 =	vmin.f32 v1, v28;
	v32 =	vmax.f32 v2, v31;
	v2 =	vmin.f32 v2, v31  }
0x73: {  	v38 =	vld [tilespmem:s31+$0x30];
	v35 =	vmax.f32 v3, v34;
	v3 =	vmin.f32 v3, v34;
	v37 =	vmax.f32 v0, v30  }
0x74: {  	v0 =	vmin.f32 v0, v30;
	v1 =	vmin.f32 v1, v32;
	v36 =	vmax.f32 v2, v35  }
0x75: {  	v42 =	vld [tilespmem:s31+$0x40];
	v2 =	vmin.f32 v2, v35;
	v39 =	vmax.f32 v3, v37;
	v3 =	vmin.f32 v3, v37  }
0x76: {  	v41 =	vmax.f32 v0, v33;
	v0 =	vmin.f32 v0, v33;
	v1 =	vmin.f32 v1, v36  }
0x77: {  	v40 =	vmax.f32 v2, v39;
	v2 =	vmin.f32 v2, v39;
	v43 =	vmax.f32 v3, v41  }
0x78: {  	v45 =	vld [tilespmem:s31+$0x50];
	v3 =	vmin.f32 v3, v41;
	v46 =	vmax.f32 v0, v38;
	v0 =	vmin.f32 v0, v38  }
0x79: {  	v1 =	vmin.f32 v1, v40;
	v44 =	vmax.f32 v2, v43;
	v2 =	vmin.f32 v2, v43  }
0x7a: {  	v50 =	vld [tilespmem:s31+$0x60];
	v47 =	vmax.f32 v3, v46;
	v3 =	vmin.f32 v3, v46;
	v49 =	vmax.f32 v0, v42  }
0x7b: {  	v0 =	vmin.f32 v0, v42;
	v1 =	vmin.f32 v1, v44;
	v48 =	vmax.f32 v2, v47  }
0x7c: {  	v54 =	vld [tilespmem:s31+$0x70];
	v2 =	vmin.f32 v2, v47;
	v51 =	vmax.f32 v3, v49;
	v3 =	vmin.f32 v3, v49  }
0x7d: {  	v53 =	vmax.f32 v0, v45;
	v0 =	vmin.f32 v0, v45;
	v1 =	vmin.f32 v1, v48  }
0x7e: {  	v52 =	vmax.f32 v2, v51;
	v2 =	vmin.f32 v2, v51;
	v55 =	vmax.f32 v3, v53  }
0x7f: {  	v3 =	vmin.f32 v3, v53;
	v57 =	vmax.f32 v0, v50;
	v0 =	vmin.f32 v0, v50  }
0x80: {  	v1 =	vmin.f32 v1, v52;
	v56 =	vmax.f32 v2, v55;
	v2 =	vmin.f32 v2, v55  }
0x81: {  	p0 =	sne.s32 s11, $0x61;
	v58 =	vmax.f32 v3, v57;
	v3 =	vmin.f32 v3, v57;
	v59 =	vmax.f32 v0, v54  }
.Ltmp0:
0x82: {  	v0 =	vmin.f32 v0, v54;
	v1 =	vmin.f32 v1, v56;
	v60 =	vmax.f32 v2, v58;
	(pc) =	sbr.rel @p0 .LBB2_2-.Ltmp0, $4  }
0x83: {  	v2 =	vmin.f32 v2, v58;
	v61 =	vmax.f32 v3, v59;
	v3 =	vmin.f32 v3, v59;
	[tilespmem:s9+$0x0] =	vst v0  }
0x84: {  	v62 =	vmin.f32 v1, v60;
	v63 =	vmax.f32 v2, v61;
	v2 =	vmin.f32 v2, v61;
	[tilespmem:s9+$0x10] =	vst v3  }
0x85: {  	v0 =	vmin.f32 v62, v63;
	[tilespmem:s9+$0x20] =	vst v2  }
0x86: {  	s10 =	sadd.s32 $0x100, s10;
	s11 =	sadd.s32 $0x1, s11;
	[tilespmem:s9+$0x30] =	vst v0;
	s9 =	sadd.s32 $0x100, s9  }
0x87: {  	s8 =	sadd.s32 $0x1, s8  }
0x88: {  	p0 =	sne.s32 s8, s5  }
.Ltmp1:
0x89: {  	_ = 	snop;
	(pc) =	sbr.rel @p0 .LBB2_1-.Ltmp1, $4  }
0x8a: {  	[hbm4b:s4+s2] =	stream.linear.scatter [tilespmem:s7], [sflag:$0x1], $0x6200, $0x38;
	[tilespmem:$0x19000] =	vst v63  }
0x8b: {  	_ =	swait.ge [sflag:s6], $0x6200  }
0x8c: {  	[sflag:s6] =	ssyncset.done $0x0  }
0x8d: {  	[sflag:s6] =	ssyncadd.s32 $0xFFFF9E00  }
0x8e: {  	_ =	sfence.sel $0x180000  }
0x8f: {  	[bflag:$0x0] =	sbarrier.arrive $0xFFFF  }
0x90: {  	p0 =	sne.s32 s0, $0x0;
	_ =	strace $0x90000047  }
0x91: {  	s0 =	sadd.s32 @!p0 $0x100000, s1;
	[bflag:$0x2] =	sbarrier.arrive $0xFFFF  }
0x92: {  	[sflag:s0] =	ssyncadd.tile.s32 @!p0 $0x1;
	_ =	shalt  }
.Lfunc_end2:
_tile_overlayer_lowered:
.L_overlay_start_2:
0x93: {  	(tag) =	ssettag $0x2  }
0x94: {  	s0 =	rddreg [dreg:$0x0];
	s2 =	stileid.u32  }
0x95: {  	s1 =	rddreg [dreg:$0x1];
	p0 =	sne.s32 s2, $0x0  }
0x96: {  	s3 =	rddreg [dreg:$0x2];
	[bflag:$0x3] =	sbarrier.arrive $0xFFFF;
	s2 =	simm.s32 @!p0 $0x1C01  }
0x97: {  	[timem:s3], [sflag:s2] =	dma.local @!p0 [hbm:s0], s1  }
0x98: {  	s0 =	simm.s32 @!p0 $0x1  }
0x99: {  	_ =	swait.ge @!p0 [sflag:s0], s1  }
0x9a: {  	s1 =	ssub.s32 @!p0 $0x0, s1;
	[sflag:s0] =	ssyncset.done @!p0 $0x0  }
0x9b: {  	[sflag:s0] =	ssyncadd.s32 @!p0 s1  }
0x9c: {  	[bflag:$0x3] =	sbarrier.arrive $0xFFFF  }
0x9d: {  	_ =	shalt  }

</sc_bundles>
